<compile_context>
chip_gen: v7x
topology: tpu7x:2x2x1
jax: 0.10.2.dev20260603
libtpu: 0.0.44.dev20260713+nightly
codegen_flags: <defaults>
</compile_context>

<pallas_src>
import functools

import jax
import jax.numpy as jnp
from jax import lax
from jax.experimental import pallas as pl
from jax.experimental.pallas import tpu as pltpu
from jax.experimental.pallas import tpu_sc as plsc

NC = 2
NS = 16
NW = NC * NS
EB = 128
RB = 4


def _sc_mesh():
    return plsc.VectorSubcoreMesh(
        core_axis_name="c", subcore_axis_name="s", num_cores=NC, num_subcores=NS
    )



def _degree_body(dst_hbm, ones_hbm, zeros_hbm, out_hbm, idx_v, ones_v, acc_sh, sem):
    c = lax.axis_index("c")
    s = lax.axis_index("s")
    wid = c * NS + s
    k = idx_v.shape[0]
    stripe = acc_sh.shape[0] // NS

    pltpu.sync_copy(dst_hbm.at[wid], idx_v)
    pltpu.sync_copy(ones_hbm, ones_v)
    pltpu.sync_copy(zeros_hbm, acc_sh.at[pl.ds(s * stripe, stripe)])
    plsc.subcore_barrier()

    def fire(j, carry):
        pltpu.async_copy(ones_v, acc_sh.at[idx_v.at[j]], sem, add=True)
        return carry

    lax.fori_loop(0, k, fire, 0)

    def drain(j, carry):
        pltpu.make_async_copy(ones_v, acc_sh.at[idx_v.at[j]], sem).wait()
        return carry

    lax.fori_loop(0, k, drain, 0)
    plsc.subcore_barrier()
    pltpu.sync_copy(
        acc_sh.at[pl.ds(s * stripe, stripe)],
        out_hbm.at[c, pl.ds(s * stripe, stripe)],
    )


def _make_degree(n_pad, k):
    return pl.kernel(
        _degree_body,
        out_type=jax.ShapeDtypeStruct((NC, n_pad), jnp.float32),
        mesh=_sc_mesh(),
        scratch_types=[
            pltpu.VMEM((k, EB), jnp.int32),
            pltpu.VMEM((EB,), jnp.float32),
            pltpu.VMEM_SHARED((n_pad,), jnp.float32),
            pltpu.SemaphoreType.DMA,
        ],
    )


def _scatter_body(table_hbm, src_hbm, dst_hbm, zeros_hbm, out_hbm,
                  sidx_v, didx_v, rows_a, rows_b, rows_c, rows_d, acc_sh,
                  gsem_a, gsem_b, gsem_c, gsem_d,
                  ssem_a, ssem_b, ssem_c, ssem_d):
    c = lax.axis_index("c")
    s = lax.axis_index("s")
    wid = c * NS + s
    k = sidx_v.shape[0]
    stripe = acc_sh.shape[0] // NS
    rows = [rows_a, rows_b, rows_c, rows_d]
    gsems = [gsem_a, gsem_b, gsem_c, gsem_d]
    ssems = [ssem_a, ssem_b, ssem_c, ssem_d]

    pltpu.sync_copy(src_hbm.at[wid], sidx_v)
    pltpu.sync_copy(dst_hbm.at[wid], didx_v)
    for r in range(RB):
        pltpu.async_copy(table_hbm.at[sidx_v.at[r]], rows[r], gsems[r])
    pltpu.sync_copy(zeros_hbm, acc_sh.at[pl.ds(s * stripe, stripe)])
    plsc.subcore_barrier()

    def body(g, carry):
        j0 = g * RB
        for r in range(RB):
            pltpu.make_async_copy(
                table_hbm.at[sidx_v.at[j0 + r]], rows[r], gsems[r]).wait()
            pltpu.async_copy(rows[r], acc_sh.at[didx_v.at[j0 + r]], ssems[r],
                             add=True)
        for r in range(RB):
            pltpu.make_async_copy(
                rows[r], acc_sh.at[didx_v.at[j0 + r]], ssems[r]).wait()

            @pl.when(j0 + RB + r < k)
            def _():
                pltpu.async_copy(
                    table_hbm.at[sidx_v.at[j0 + RB + r]], rows[r], gsems[r])

        return carry

    lax.fori_loop(0, k // RB, body, 0)
    plsc.subcore_barrier()
    pltpu.sync_copy(
        acc_sh.at[pl.ds(s * stripe, stripe)],
        out_hbm.at[c, pl.ds(s * stripe, stripe)],
    )


def _make_scatter(n_pad, feat, k):
    return pl.kernel(
        _scatter_body,
        out_type=jax.ShapeDtypeStruct((NC, n_pad, feat), jnp.float32),
        mesh=_sc_mesh(),
        scratch_types=(
            [
                pltpu.VMEM((k, EB), jnp.int32),
                pltpu.VMEM((k, EB), jnp.int32),
            ]
            + [pltpu.VMEM((EB, feat), jnp.float32)] * RB
            + [pltpu.VMEM_SHARED((n_pad, feat), jnp.float32)]
            + [pltpu.SemaphoreType.DMA] * (2 * RB)
        ),
        compiler_params=pltpu.CompilerParams(use_tc_tiling_on_sc=False),
    )


def _scatter_fs_body(table_hbm, src_hbm, dst_hbm, zeros_hbm, out_hbm,
                     sidx_v, didx_v, rows_a, rows_b, rows_c, rows_d, acc_sh,
                     gsem_a, gsem_b, gsem_c, gsem_d,
                     ssem_a, ssem_b, ssem_c, ssem_d):
    c = lax.axis_index("c")
    s = lax.axis_index("s")
    k = sidx_v.shape[0]
    n_pad, fh = acc_sh.shape
    stripe = n_pad // NS
    rows = [rows_a, rows_b, rows_c, rows_d]
    gsems = [gsem_a, gsem_b, gsem_c, gsem_d]
    ssems = [ssem_a, ssem_b, ssem_c, ssem_d]

    tview = table_hbm.at[pl.ds(c * n_pad, n_pad)]
    pltpu.sync_copy(src_hbm.at[s], sidx_v)
    pltpu.sync_copy(dst_hbm.at[s], didx_v)
    for r in range(RB):
        pltpu.async_copy(tview.at[sidx_v.at[r]], rows[r], gsems[r])
    pltpu.sync_copy(zeros_hbm, acc_sh.at[pl.ds(s * stripe, stripe)])
    plsc.subcore_barrier()

    def body(g, carry):
        j0 = g * RB
        for r in range(RB):
            pltpu.make_async_copy(
                tview.at[sidx_v.at[j0 + r]], rows[r], gsems[r]).wait()
            pltpu.async_copy(rows[r], acc_sh.at[didx_v.at[j0 + r]], ssems[r],
                             add=True)
        for r in range(RB):
            pltpu.make_async_copy(
                rows[r], acc_sh.at[didx_v.at[j0 + r]], ssems[r]).wait()

            @pl.when(j0 + RB + r < k)
            def _():
                pltpu.async_copy(
                    tview.at[sidx_v.at[j0 + RB + r]], rows[r], gsems[r])

        return carry

    lax.fori_loop(0, k // RB, body, 0)
    plsc.subcore_barrier()
    pltpu.sync_copy(
        acc_sh.at[pl.ds(s * stripe, stripe)],
        out_hbm.at[pl.ds(s * stripe, stripe), pl.ds(c * fh, fh)],
    )


def _make_scatter_fs(n_pad, feat, k):
    fh = feat // NC
    return pl.kernel(
        _scatter_fs_body,
        out_type=jax.ShapeDtypeStruct((n_pad, feat), jnp.float32),
        mesh=_sc_mesh(),
        scratch_types=(
            [
                pltpu.VMEM((k, EB), jnp.int32),
                pltpu.VMEM((k, EB), jnp.int32),
            ]
            + [pltpu.VMEM((EB, fh), jnp.float32)] * RB
            + [pltpu.VMEM_SHARED((n_pad, fh), jnp.float32)]
            + [pltpu.SemaphoreType.DMA] * (2 * RB)
        ),
        compiler_params=pltpu.CompilerParams(use_tc_tiling_on_sc=False),
    )



def _prologue_body(deg_ref, x_ref, w_ref, dis_ref, t_ref, *, fh):
    deg = deg_ref[0] + deg_ref[1] + 1.0
    dis = lax.rsqrt(deg)[:, None]
    dis_ref[...] = dis
    hh = jnp.dot(x_ref[...], w_ref[...], preferred_element_type=jnp.float32) * dis
    t_ref[...] = jnp.stack([hh[:, :fh], hh[:, fh:]])


def _mid_body(s_ref, t_ref, dis_ref, b_ref, w_ref, o_ref, *, blk, n_valid):
    i = pl.program_id(0)
    dis = dis_ref[...]
    h = jnp.concatenate([t_ref[0], t_ref[1]], axis=1)
    z = dis * (s_ref[...] + h) + b_ref[...]
    z = jnp.maximum(z, 0.0)
    rows = i * blk + lax.broadcasted_iota(jnp.int32, (blk, 1), 0)
    z = jnp.where(rows < n_valid, z, 0.0)
    o_ref[...] = jnp.dot(
        z, w_ref[...], preferred_element_type=jnp.float32
    ) * dis


def _epilogue_body(s_ref, h_ref, dis_ref, b_ref, o_ref, *, ncls):
    full = dis_ref[...] * (s_ref[0] + s_ref[1] + h_ref[...])
    o_ref[...] = full[:, :ncls] + b_ref[...]


def _row_spec(blk, width):
    return pl.BlockSpec((blk, width), lambda i: (i, 0))


def _const_spec(shape):
    return pl.BlockSpec(shape, lambda i: (0, 0))


def _run_prologue(degp, x, w, blk, n_pad):
    fin = x.shape[1]
    h = w.shape[1]
    fh = h // NC
    grid = n_pad // blk
    return pl.pallas_call(
        functools.partial(_prologue_body, fh=fh),
        grid=(grid,),
        in_specs=[
            pl.BlockSpec((NC, blk), lambda i: (0, i)),
            pl.BlockSpec((blk, fin), lambda i: (i, 0)),
            _const_spec((fin, h)),
        ],
        out_specs=[
            pl.BlockSpec((blk, 1), lambda i: (i, 0)),
            pl.BlockSpec((NC, blk, fh), lambda i: (0, i, 0)),
        ],
        out_shape=[
            jax.ShapeDtypeStruct((n_pad, 1), jnp.float32),
            jax.ShapeDtypeStruct((NC, n_pad, fh), jnp.float32),
        ],
    )(degp, x, w)


def _run_mid(s1, table1, dis, b1, w2p, blk, n_valid):
    n_pad, h = s1.shape
    fh = table1.shape[2]
    cp = w2p.shape[1]
    grid = n_pad // blk
    return pl.pallas_call(
        functools.partial(_mid_body, blk=blk, n_valid=n_valid),
        grid=(grid,),
        in_specs=[
            _row_spec(blk, h),
            pl.BlockSpec((NC, blk, fh), lambda i: (0, i, 0)),
            _row_spec(blk, 1),
            _const_spec((1, h)),
            _const_spec((h, cp)),
        ],
        out_specs=_row_spec(blk, cp),
        out_shape=jax.ShapeDtypeStruct((n_pad, cp), jnp.float32),
    )(s1, table1, dis, b1, w2p)


def _run_epilogue(s_parts, h2p, dis, b2, blk, n):
    n_pad, cp = h2p.shape
    ncls = b2.shape[1]
    grid = n_pad // blk
    return pl.pallas_call(
        functools.partial(_epilogue_body, ncls=ncls),
        grid=(grid,),
        in_specs=[
            pl.BlockSpec((NC, blk, cp), lambda i: (0, i, 0)),
            _row_spec(blk, cp),
            _row_spec(blk, 1),
            _const_spec((1, ncls)),
        ],
        out_specs=pl.BlockSpec((blk, ncls), lambda i: (i, 0)),
        out_shape=jax.ShapeDtypeStruct((n, ncls), jnp.float32),
    )(s_parts, h2p, dis, b2)



def _round_up(a, b):
    return (a + b - 1) // b * b


def kernel(x, edge_index, W1, b1, W2, b2):
    n, fin = x.shape
    hid = W1.shape[1]
    ncls = W2.shape[1]
    e = edge_index.shape[1]

    blk = 1024
    n_pad = _round_up(n + 1, max(blk, NS * 8))
    e_pad = _round_up(e, NW * EB * RB)
    k = e_pad // (NW * EB)
    k2 = e_pad // (NS * EB)
    cp = _round_up(ncls, 16)
    fh = hid // NC

    src = edge_index[0].astype(jnp.int32)
    dst = edge_index[1].astype(jnp.int32)
    pad_idx = n + jnp.arange(e_pad - e, dtype=jnp.int32) % (n_pad - n)
    src_p = jnp.concatenate([src, pad_idx])
    dst_p = jnp.concatenate([dst, pad_idx])
    src3 = src_p.reshape(NW, k, EB)
    dst3 = dst_p.reshape(NW, k, EB)
    src_fs = src_p.reshape(NS, k2, EB)
    dst_fs = dst_p.reshape(NS, k2, EB)

    w2p = jnp.zeros((hid, cp), jnp.float32).at[:, :ncls].set(W2)
    b1r = b1.reshape(1, hid)
    b2r = b2.reshape(1, ncls)

    stripe = n_pad // NS
    zeros1 = jnp.zeros((stripe,), jnp.float32)
    ones_eb = jnp.ones((EB,), jnp.float32)
    zeros_fh = jnp.zeros((stripe, fh), jnp.float32)
    zeros_c = jnp.zeros((stripe, cp), jnp.float32)

    degp = _make_degree(n_pad, k)(dst3, ones_eb, zeros1)

    dis, table1 = _run_prologue(degp, x, W1, blk, n_pad)
    table1f = table1.reshape(NC * n_pad, fh)
    s1 = _make_scatter_fs(n_pad, hid, k2)(table1f, src_fs, dst_fs, zeros_fh)
    h2p = _run_mid(s1, table1, dis, b1r, w2p, blk, n)
    s2 = _make_scatter(n_pad, cp, k)(h2p, src3, dst3, zeros_c)
    return _run_epilogue(s2, h2p, dis, b2r, blk, n)

# --- scband reference (transcript-rebuilt; emitter-appended) ---
"""Pipeline reference for scband-base-graph-27951647163109 (READ-ONLY COPY).

The authoritative reference and input builder live on the scoring server;
editing this copy changes nothing except your own understanding.
"""

import jax, jax.numpy as jnp
import numpy as np

N_NODES = 10000
N_EDGES = 320000
IN_FEAT = 128
HIDDEN = 128
NUM_CLASS = 40


def setup_inputs(seed: int = 0) -> dict:
    key = jax.random.key(seed)
    k_x, k_ei, k_w1, k_b1, k_w2, k_b2 = jax.random.split(key, 6)
    x = jax.random.normal(k_x, (N_NODES, IN_FEAT), dtype=jnp.float32)
    edge_index = jax.random.randint(k_ei, (2, N_EDGES), 0, N_NODES, dtype=jnp.int64)
    # GCNConv layer 1: weight [in_feat, hidden], bias [hidden]
    W1 = jax.random.normal(k_w1, (IN_FEAT, HIDDEN), dtype=jnp.float32) * (1.0 / np.sqrt(IN_FEAT))
    b1 = jnp.zeros((HIDDEN,), dtype=jnp.float32)
    # GCNConv output layer: weight [hidden, num_class], bias [num_class]
    W2 = jax.random.normal(k_w2, (HIDDEN, NUM_CLASS), dtype=jnp.float32) * (1.0 / np.sqrt(HIDDEN))
    b2 = jnp.zeros((NUM_CLASS,), dtype=jnp.float32)
    return {"x": x, "edge_index": edge_index, "W1": W1, "b1": b1, "W2": W2, "b2": b2}


def _gcn_conv(x, edge_index, W, b):
    # Faithful PyG GCNConv: add self-loops, symmetric normalization D^-1/2 (A+I) D^-1/2 X W + b
    N = x.shape[0]
    loop = jnp.arange(N, dtype=edge_index.dtype)
    src = jnp.concatenate([edge_index[0], loop])
    dst = jnp.concatenate([edge_index[1], loop])
    h = x @ W
    ones = jnp.ones(dst.shape[0], dtype=x.dtype)
    deg = jax.ops.segment_sum(ones, dst, num_segments=N)
    deg_inv_sqrt = jnp.where(deg > 0, jax.lax.rsqrt(jnp.maximum(deg, 1e-12)), 0.0)
    norm = deg_inv_sqrt[src] * deg_inv_sqrt[dst]
    msg = h[src] * norm[:, None]
    out = jax.ops.segment_sum(msg, dst, num_segments=N)
    return out + b


def reference(x, edge_index, W1, b1, W2, b2):
    h = _gcn_conv(x, edge_index, W1, b1)
    h = jax.nn.relu(h)
    out = _gcn_conv(h, edge_index, W2, b2)
    return out

if __name__ == "__main__":
    import jax
    _d = setup_inputs()
    print(jax.jit(kernel)(*tuple(_d.values())))

</pallas_src>

<mosaic_0001>
#map = affine_map<(d0, d1) -> (0, 0)>
#map1 = affine_map<(d0, d1) -> (0, 0, 0)>
module attributes {stable_mosaic.version = 14 : i64} {
  func.func @_scatter_fs_body(%arg0: i32, %arg1: i32, %arg2: memref<20480x64xf32, #tpu.memory_space<hbm>>, %arg3: memref<16x160x128xi32, #tpu.memory_space<hbm>>, %arg4: memref<16x160x128xi32, #tpu.memory_space<hbm>>, %arg5: memref<640x64xf32, #tpu.memory_space<hbm>>, %arg6: memref<10240x128xf32, #tpu.memory_space<hbm>>, %arg7: memref<160x128xi32, #tpu.memory_space<vmem>>, %arg8: memref<160x128xi32, #tpu.memory_space<vmem>>, %arg9: memref<128x64xf32, #tpu.memory_space<vmem>>, %arg10: memref<128x64xf32, #tpu.memory_space<vmem>>, %arg11: memref<128x64xf32, #tpu.memory_space<vmem>>, %arg12: memref<128x64xf32, #tpu.memory_space<vmem>>, %arg13: memref<10240x64xf32, #tpu.memory_space<vmem_shared>>, %arg14: memref<!tpu.dma_semaphore, #tpu.memory_space<semaphore_mem>>, %arg15: memref<!tpu.dma_semaphore, #tpu.memory_space<semaphore_mem>>, %arg16: memref<!tpu.dma_semaphore, #tpu.memory_space<semaphore_mem>>, %arg17: memref<!tpu.dma_semaphore, #tpu.memory_space<semaphore_mem>>, %arg18: memref<!tpu.dma_semaphore, #tpu.memory_space<semaphore_mem>>, %arg19: memref<!tpu.dma_semaphore, #tpu.memory_space<semaphore_mem>>, %arg20: memref<!tpu.dma_semaphore, #tpu.memory_space<semaphore_mem>>, %arg21: memref<!tpu.dma_semaphore, #tpu.memory_space<semaphore_mem>>) attributes {dimension_semantics = [#tpu.dimension_semantics<core_parallel>, #tpu.dimension_semantics<subcore_parallel>], iteration_bounds = array<i64: 2, 16>, scalar_prefetch = 0 : i64, scratch_operands = 15 : i64, tpu.core_type = #tpu.core_type<sc_vector_subcore>, window_params = [{transform_indices = #map}, {transform_indices = #map1}, {transform_indices = #map1}, {transform_indices = #map}, {transform_indices = #map}]} {
    %mul3A = arith.constant 10240 : i32
    %mul3A_0 = arith.muli %arg0, %mul3A : i32
    "tpu.region"() ({
      %run_scoped3A = tpu.sem_alloc : memref<!tpu.dma_semaphore, #tpu.memory_space<semaphore_mem>>
      %dma_start3A_50 = arith.constant 0 : i32
      %dma_start3A_51 = arith.constant 0 : i32
      %dma_start3A_52 = tpu.memref_slice %arg3[%arg1, %dma_start3A_50, %dma_start3A_51] : memref<16x160x128xi32, #tpu.memory_space<hbm>> -> memref<1x160x128xi32, #tpu.memory_space<hbm>>
      %dma_start3A_53 = tpu.memref_squeeze %dma_start3A_52 : memref<1x160x128xi32, #tpu.memory_space<hbm>> -> memref<160x128xi32, #tpu.memory_space<hbm>>
      %dma_start3A_54 = arith.constant 0 : i32
      %dma_start3A_55 = arith.constant 0 : i32
      %dma_start3A_56 = tpu.memref_slice %arg3[%arg1, %dma_start3A_54, %dma_start3A_55] : memref<16x160x128xi32, #tpu.memory_space<hbm>> -> memref<1x160x128xi32, #tpu.memory_space<hbm>>
      %dma_start3A_57 = tpu.memref_squeeze %dma_start3A_56 : memref<1x160x128xi32, #tpu.memory_space<hbm>> -> memref<160x128xi32, #tpu.memory_space<hbm>>
      tpu.enqueue_dma source(%dma_start3A_57 : memref<160x128xi32, #tpu.memory_space<hbm>>) target(%arg7 : memref<160x128xi32, #tpu.memory_space<vmem>>) target_semaphore(%run_scoped3A : memref<!tpu.dma_semaphore, #tpu.memory_space<semaphore_mem>>)
      %dma_wait3A = arith.constant 0 : i32
      %dma_wait3A_58 = arith.constant 0 : i32
      %dma_wait3A_59 = tpu.memref_slice %arg3[%arg1, %dma_wait3A, %dma_wait3A_58] : memref<16x160x128xi32, #tpu.memory_space<hbm>> -> memref<1x160x128xi32, #tpu.memory_space<hbm>>
      %dma_wait3A_60 = tpu.memref_squeeze %dma_wait3A_59 : memref<1x160x128xi32, #tpu.memory_space<hbm>> -> memref<160x128xi32, #tpu.memory_space<hbm>>
      %dma_wait3A_61 = arith.constant 0 : i32
      %dma_wait3A_62 = arith.constant 0 : i32
      %dma_wait3A_63 = tpu.memref_slice %arg3[%arg1, %dma_wait3A_61, %dma_wait3A_62] : memref<16x160x128xi32, #tpu.memory_space<hbm>> -> memref<1x160x128xi32, #tpu.memory_space<hbm>>
      %dma_wait3A_64 = tpu.memref_squeeze %dma_wait3A_63 : memref<1x160x128xi32, #tpu.memory_space<hbm>> -> memref<160x128xi32, #tpu.memory_space<hbm>>
      tpu.wait_dma2 semaphore(%run_scoped3A : memref<!tpu.dma_semaphore, #tpu.memory_space<semaphore_mem>>) src(%dma_wait3A_64 : memref<160x128xi32, #tpu.memory_space<hbm>>) dst(%arg7 : memref<160x128xi32, #tpu.memory_space<vmem>>)
      tpu.yield
    }) : () -> ()
    "tpu.region"() ({
      %run_scoped3A = tpu.sem_alloc : memref<!tpu.dma_semaphore, #tpu.memory_space<semaphore_mem>>
      %dma_start3A_50 = arith.constant 0 : i32
      %dma_start3A_51 = arith.constant 0 : i32
      %dma_start3A_52 = tpu.memref_slice %arg4[%arg1, %dma_start3A_50, %dma_start3A_51] : memref<16x160x128xi32, #tpu.memory_space<hbm>> -> memref<1x160x128xi32, #tpu.memory_space<hbm>>
      %dma_start3A_53 = tpu.memref_squeeze %dma_start3A_52 : memref<1x160x128xi32, #tpu.memory_space<hbm>> -> memref<160x128xi32, #tpu.memory_space<hbm>>
      %dma_start3A_54 = arith.constant 0 : i32
      %dma_start3A_55 = arith.constant 0 : i32
      %dma_start3A_56 = tpu.memref_slice %arg4[%arg1, %dma_start3A_54, %dma_start3A_55] : memref<16x160x128xi32, #tpu.memory_space<hbm>> -> memref<1x160x128xi32, #tpu.memory_space<hbm>>
      %dma_start3A_57 = tpu.memref_squeeze %dma_start3A_56 : memref<1x160x128xi32, #tpu.memory_space<hbm>> -> memref<160x128xi32, #tpu.memory_space<hbm>>
      tpu.enqueue_dma source(%dma_start3A_57 : memref<160x128xi32, #tpu.memory_space<hbm>>) target(%arg8 : memref<160x128xi32, #tpu.memory_space<vmem>>) target_semaphore(%run_scoped3A : memref<!tpu.dma_semaphore, #tpu.memory_space<semaphore_mem>>)
      %dma_wait3A = arith.constant 0 : i32
      %dma_wait3A_58 = arith.constant 0 : i32
      %dma_wait3A_59 = tpu.memref_slice %arg4[%arg1, %dma_wait3A, %dma_wait3A_58] : memref<16x160x128xi32, #tpu.memory_space<hbm>> -> memref<1x160x128xi32, #tpu.memory_space<hbm>>
      %dma_wait3A_60 = tpu.memref_squeeze %dma_wait3A_59 : memref<1x160x128xi32, #tpu.memory_space<hbm>> -> memref<160x128xi32, #tpu.memory_space<hbm>>
      %dma_wait3A_61 = arith.constant 0 : i32
      %dma_wait3A_62 = arith.constant 0 : i32
      %dma_wait3A_63 = tpu.memref_slice %arg4[%arg1, %dma_wait3A_61, %dma_wait3A_62] : memref<16x160x128xi32, #tpu.memory_space<hbm>> -> memref<1x160x128xi32, #tpu.memory_space<hbm>>
      %dma_wait3A_64 = tpu.memref_squeeze %dma_wait3A_63 : memref<1x160x128xi32, #tpu.memory_space<hbm>> -> memref<160x128xi32, #tpu.memory_space<hbm>>
      tpu.wait_dma2 semaphore(%run_scoped3A : memref<!tpu.dma_semaphore, #tpu.memory_space<semaphore_mem>>) src(%dma_wait3A_64 : memref<160x128xi32, #tpu.memory_space<hbm>>) dst(%arg8 : memref<160x128xi32, #tpu.memory_space<vmem>>)
      tpu.yield
    }) : () -> ()
    %dma_start3A = arith.constant 0 : i32
    %dma_start3A_1 = arith.constant 0 : i32
    %dma_start3A_2 = tpu.memref_slice %arg7[%dma_start3A, %dma_start3A_1] : memref<160x128xi32, #tpu.memory_space<vmem>> -> memref<1x128xi32, #tpu.memory_space<vmem>>
    %dma_start3A_3 = tpu.memref_squeeze %dma_start3A_2 : memref<1x128xi32, #tpu.memory_space<vmem>> -> memref<128xi32, #tpu.memory_space<vmem>>
    %dma_start3A_4 = arith.constant 0 : i32
    %dma_start3A_5 = tpu.memref_slice %arg2[%mul3A_0, %dma_start3A_4] : memref<20480x64xf32, #tpu.memory_space<hbm>> -> memref<10240x64xf32, #tpu.memory_space<hbm>>
    %dma_start3A_6 = arith.constant 0 : i32
    %dma_start3A_7 = arith.constant 0 : i32
    %dma_start3A_8 = tpu.memref_slice %dma_start3A_5[%dma_start3A_6, %dma_start3A_7] : memref<10240x64xf32, #tpu.memory_space<hbm>> -> memref<10240x64xf32, #tpu.memory_space<hbm>>
    tpu.enqueue_indirect_dma source(%dma_start3A_8 : memref<10240x64xf32, #tpu.memory_space<hbm>>) target(%arg9 : memref<128x64xf32, #tpu.memory_space<vmem>>) offsets(%dma_start3A_3 : memref<128xi32, #tpu.memory_space<vmem>>) semaphore(%arg14 : memref<!tpu.dma_semaphore, #tpu.memory_space<semaphore_mem>>)
    %dma_start3A_9 = arith.constant 1 : i32
    %dma_start3A_10 = arith.constant 0 : i32
    %dma_start3A_11 = tpu.memref_slice %arg7[%dma_start3A_9, %dma_start3A_10] : memref<160x128xi32, #tpu.memory_space<vmem>> -> memref<1x128xi32, #tpu.memory_space<vmem>>
    %dma_start3A_12 = tpu.memref_squeeze %dma_start3A_11 : memref<1x128xi32, #tpu.memory_space<vmem>> -> memref<128xi32, #tpu.memory_space<vmem>>
    %dma_start3A_13 = arith.constant 0 : i32
    %dma_start3A_14 = tpu.memref_slice %arg2[%mul3A_0, %dma_start3A_13] : memref<20480x64xf32, #tpu.memory_space<hbm>> -> memref<10240x64xf32, #tpu.memory_space<hbm>>
    %dma_start3A_15 = arith.constant 0 : i32
    %dma_start3A_16 = arith.constant 0 : i32
    %dma_start3A_17 = tpu.memref_slice %dma_start3A_14[%dma_start3A_15, %dma_start3A_16] : memref<10240x64xf32, #tpu.memory_space<hbm>> -> memref<10240x64xf32, #tpu.memory_space<hbm>>
    tpu.enqueue_indirect_dma source(%dma_start3A_17 : memref<10240x64xf32, #tpu.memory_space<hbm>>) target(%arg10 : memref<128x64xf32, #tpu.memory_space<vmem>>) offsets(%dma_start3A_12 : memref<128xi32, #tpu.memory_space<vmem>>) semaphore(%arg15 : memref<!tpu.dma_semaphore, #tpu.memory_space<semaphore_mem>>)
    %dma_start3A_18 = arith.constant 2 : i32
    %dma_start3A_19 = arith.constant 0 : i32
    %dma_start3A_20 = tpu.memref_slice %arg7[%dma_start3A_18, %dma_start3A_19] : memref<160x128xi32, #tpu.memory_space<vmem>> -> memref<1x128xi32, #tpu.memory_space<vmem>>
    %dma_start3A_21 = tpu.memref_squeeze %dma_start3A_20 : memref<1x128xi32, #tpu.memory_space<vmem>> -> memref<128xi32, #tpu.memory_space<vmem>>
    %dma_start3A_22 = arith.constant 0 : i32
    %dma_start3A_23 = tpu.memref_slice %arg2[%mul3A_0, %dma_start3A_22] : memref<20480x64xf32, #tpu.memory_space<hbm>> -> memref<10240x64xf32, #tpu.memory_space<hbm>>
    %dma_start3A_24 = arith.constant 0 : i32
    %dma_start3A_25 = arith.constant 0 : i32
    %dma_start3A_26 = tpu.memref_slice %dma_start3A_23[%dma_start3A_24, %dma_start3A_25] : memref<10240x64xf32, #tpu.memory_space<hbm>> -> memref<10240x64xf32, #tpu.memory_space<hbm>>
    tpu.enqueue_indirect_dma source(%dma_start3A_26 : memref<10240x64xf32, #tpu.memory_space<hbm>>) target(%arg11 : memref<128x64xf32, #tpu.memory_space<vmem>>) offsets(%dma_start3A_21 : memref<128xi32, #tpu.memory_space<vmem>>) semaphore(%arg16 : memref<!tpu.dma_semaphore, #tpu.memory_space<semaphore_mem>>)
    %dma_start3A_27 = arith.constant 3 : i32
    %dma_start3A_28 = arith.constant 0 : i32
    %dma_start3A_29 = tpu.memref_slice %arg7[%dma_start3A_27, %dma_start3A_28] : memref<160x128xi32, #tpu.memory_space<vmem>> -> memref<1x128xi32, #tpu.memory_space<vmem>>
    %dma_start3A_30 = tpu.memref_squeeze %dma_start3A_29 : memref<1x128xi32, #tpu.memory_space<vmem>> -> memref<128xi32, #tpu.memory_space<vmem>>
    %dma_start3A_31 = arith.constant 0 : i32
    %dma_start3A_32 = tpu.memref_slice %arg2[%mul3A_0, %dma_start3A_31] : memref<20480x64xf32, #tpu.memory_space<hbm>> -> memref<10240x64xf32, #tpu.memory_space<hbm>>
    %dma_start3A_33 = arith.constant 0 : i32
    %dma_start3A_34 = arith.constant 0 : i32
    %dma_start3A_35 = tpu.memref_slice %dma_start3A_32[%dma_start3A_33, %dma_start3A_34] : memref<10240x64xf32, #tpu.memory_space<hbm>> -> memref<10240x64xf32, #tpu.memory_space<hbm>>
    tpu.enqueue_indirect_dma source(%dma_start3A_35 : memref<10240x64xf32, #tpu.memory_space<hbm>>) target(%arg12 : memref<128x64xf32, #tpu.memory_space<vmem>>) offsets(%dma_start3A_30 : memref<128xi32, #tpu.memory_space<vmem>>) semaphore(%arg17 : memref<!tpu.dma_semaphore, #tpu.memory_space<semaphore_mem>>)
    %mul3A_36 = arith.constant 640 : i32
    %mul3A_37 = arith.muli %arg1, %mul3A_36 : i32
    "tpu.region"() ({
      %run_scoped3A = tpu.sem_alloc : memref<!tpu.dma_semaphore, #tpu.memory_space<semaphore_mem>>
      %dma_start3A_50 = arith.constant 0 : i32
      %dma_start3A_51 = tpu.memref_slice %arg13[%mul3A_37, %dma_start3A_50] : memref<10240x64xf32, #tpu.memory_space<vmem_shared>> -> memref<640x64xf32, #tpu.memory_space<vmem_shared>>
      tpu.enqueue_dma source(%arg5 : memref<640x64xf32, #tpu.memory_space<hbm>>) target(%dma_start3A_51 : memref<640x64xf32, #tpu.memory_space<vmem_shared>>) target_semaphore(%run_scoped3A : memref<!tpu.dma_semaphore, #tpu.memory_space<semaphore_mem>>)
      %dma_wait3A = arith.constant 0 : i32
      %dma_wait3A_52 = tpu.memref_slice %arg13[%mul3A_37, %dma_wait3A] : memref<10240x64xf32, #tpu.memory_space<vmem_shared>> -> memref<640x64xf32, #tpu.memory_space<vmem_shared>>
      tpu.wait_dma2 semaphore(%run_scoped3A : memref<!tpu.dma_semaphore, #tpu.memory_space<semaphore_mem>>) src(%arg5 : memref<640x64xf32, #tpu.memory_space<hbm>>) dst(%dma_wait3A_52 : memref<640x64xf32, #tpu.memory_space<vmem_shared>>)
      tpu.yield
    }) : () -> ()
    %barrier3A = arith.constant 0 : index
    tpu.barrier barrier_id(%barrier3A)
    %scan3A = arith.constant 0 : i32
    %scan3A_38 = arith.constant 0 : i32
    %scan3A_39 = arith.constant 40 : i32
    %scan3A_40 = arith.addi %scan3A_38, %scan3A_39 : i32
    %scan3A_41 = arith.constant 1 : i32
    scf.for %scan3A_50 = %scan3A_38 to %scan3A_40 step %scan3A_41  : i32 {
      %mul3A_51 = arith.constant 4 : i32
      %mul3A_52 = arith.muli %scan3A_50, %mul3A_51 : i32
      %add3A = arith.constant 0 : i32
      %add3A_53 = arith.addi %mul3A_52, %add3A : i32
      %dma_wait3A = arith.constant 0 : i32
      %dma_wait3A_54 = tpu.memref_slice %arg7[%add3A_53, %dma_wait3A] : memref<160x128xi32, #tpu.memory_space<vmem>> -> memref<1x128xi32, #tpu.memory_space<vmem>>
      %dma_wait3A_55 = tpu.memref_squeeze %dma_wait3A_54 : memref<1x128xi32, #tpu.memory_space<vmem>> -> memref<128xi32, #tpu.memory_space<vmem>>
      %dma_wait3A_56 = arith.constant 0 : i32
      %dma_wait3A_57 = tpu.memref_slice %arg2[%mul3A_0, %dma_wait3A_56] : memref<20480x64xf32, #tpu.memory_space<hbm>> -> memref<10240x64xf32, #tpu.memory_space<hbm>>
      %dma_wait3A_58 = arith.constant 0 : i32
      %dma_wait3A_59 = arith.constant 0 : i32
      %dma_wait3A_60 = tpu.memref_slice %dma_wait3A_57[%dma_wait3A_58, %dma_wait3A_59] : memref<10240x64xf32, #tpu.memory_space<hbm>> -> memref<10240x64xf32, #tpu.memory_space<hbm>>
      tpu.wait_indirect_dma semaphore(%arg14 : memref<!tpu.dma_semaphore, #tpu.memory_space<semaphore_mem>>) src(%dma_wait3A_60 : memref<10240x64xf32, #tpu.memory_space<hbm>>) dst(%arg9 : memref<128x64xf32, #tpu.memory_space<vmem>>)
      %add3A_61 = arith.constant 0 : i32
      %add3A_62 = arith.addi %mul3A_52, %add3A_61 : i32
      %dma_start3A_63 = arith.constant 0 : i32
      %dma_start3A_64 = tpu.memref_slice %arg8[%add3A_62, %dma_start3A_63] : memref<160x128xi32, #tpu.memory_space<vmem>> -> memref<1x128xi32, #tpu.memory_space<vmem>>
      %dma_start3A_65 = tpu.memref_squeeze %dma_start3A_64 : memref<1x128xi32, #tpu.memory_space<vmem>> -> memref<128xi32, #tpu.memory_space<vmem>>
      %dma_start3A_66 = arith.constant 0 : i32
      %dma_start3A_67 = arith.constant 0 : i32
      %dma_start3A_68 = tpu.memref_slice %arg13[%dma_start3A_66, %dma_start3A_67] : memref<10240x64xf32, #tpu.memory_space<vmem_shared>> -> memref<10240x64xf32, #tpu.memory_space<vmem_shared>>
      tpu.enqueue_indirect_dma source(%arg9 : memref<128x64xf32, #tpu.memory_space<vmem>>) target(%dma_start3A_68 : memref<10240x64xf32, #tpu.memory_space<vmem_shared>>) offsets(%dma_start3A_65 : memref<128xi32, #tpu.memory_space<vmem>>) semaphore(%arg18 : memref<!tpu.dma_semaphore, #tpu.memory_space<semaphore_mem>>) {add = true}
      %add3A_69 = arith.constant 1 : i32
      %add3A_70 = arith.addi %mul3A_52, %add3A_69 : i32
      %dma_wait3A_71 = arith.constant 0 : i32
      %dma_wait3A_72 = tpu.memref_slice %arg7[%add3A_70, %dma_wait3A_71] : memref<160x128xi32, #tpu.memory_space<vmem>> -> memref<1x128xi32, #tpu.memory_space<vmem>>
      %dma_wait3A_73 = tpu.memref_squeeze %dma_wait3A_72 : memref<1x128xi32, #tpu.memory_space<vmem>> -> memref<128xi32, #tpu.memory_space<vmem>>
      %dma_wait3A_74 = arith.constant 0 : i32
      %dma_wait3A_75 = tpu.memref_slice %arg2[%mul3A_0, %dma_wait3A_74] : memref<20480x64xf32, #tpu.memory_space<hbm>> -> memref<10240x64xf32, #tpu.memory_space<hbm>>
      %dma_wait3A_76 = arith.constant 0 : i32
      %dma_wait3A_77 = arith.constant 0 : i32
      %dma_wait3A_78 = tpu.memref_slice %dma_wait3A_75[%dma_wait3A_76, %dma_wait3A_77] : memref<10240x64xf32, #tpu.memory_space<hbm>> -> memref<10240x64xf32, #tpu.memory_space<hbm>>
      tpu.wait_indirect_dma semaphore(%arg15 : memref<!tpu.dma_semaphore, #tpu.memory_space<semaphore_mem>>) src(%dma_wait3A_78 : memref<10240x64xf32, #tpu.memory_space<hbm>>) dst(%arg10 : memref<128x64xf32, #tpu.memory_space<vmem>>)
      %add3A_79 = arith.constant 1 : i32
      %add3A_80 = arith.addi %mul3A_52, %add3A_79 : i32
      %dma_start3A_81 = arith.constant 0 : i32
      %dma_start3A_82 = tpu.memref_slice %arg8[%add3A_80, %dma_start3A_81] : memref<160x128xi32, #tpu.memory_space<vmem>> -> memref<1x128xi32, #tpu.memory_space<vmem>>
      %dma_start3A_83 = tpu.memref_squeeze %dma_start3A_82 : memref<1x128xi32, #tpu.memory_space<vmem>> -> memref<128xi32, #tpu.memory_space<vmem>>
      %dma_start3A_84 = arith.constant 0 : i32
      %dma_start3A_85 = arith.constant 0 : i32
      %dma_start3A_86 = tpu.memref_slice %arg13[%dma_start3A_84, %dma_start3A_85] : memref<10240x64xf32, #tpu.memory_space<vmem_shared>> -> memref<10240x64xf32, #tpu.memory_space<vmem_shared>>
      tpu.enqueue_indirect_dma source(%arg10 : memref<128x64xf32, #tpu.memory_space<vmem>>) target(%dma_start3A_86 : memref<10240x64xf32, #tpu.memory_space<vmem_shared>>) offsets(%dma_start3A_83 : memref<128xi32, #tpu.memory_space<vmem>>) semaphore(%arg19 : memref<!tpu.dma_semaphore, #tpu.memory_space<semaphore_mem>>) {add = true}
      %add3A_87 = arith.constant 2 : i32
      %add3A_88 = arith.addi %mul3A_52, %add3A_87 : i32
      %dma_wait3A_89 = arith.constant 0 : i32
      %dma_wait3A_90 = tpu.memref_slice %arg7[%add3A_88, %dma_wait3A_89] : memref<160x128xi32, #tpu.memory_space<vmem>> -> memref<1x128xi32, #tpu.memory_space<vmem>>
      %dma_wait3A_91 = tpu.memref_squeeze %dma_wait3A_90 : memref<1x128xi32, #tpu.memory_space<vmem>> -> memref<128xi32, #tpu.memory_space<vmem>>
      %dma_wait3A_92 = arith.constant 0 : i32
      %dma_wait3A_93 = tpu.memref_slice %arg2[%mul3A_0, %dma_wait3A_92] : memref<20480x64xf32, #tpu.memory_space<hbm>> -> memref<10240x64xf32, #tpu.memory_space<hbm>>
      %dma_wait3A_94 = arith.constant 0 : i32
      %dma_wait3A_95 = arith.constant 0 : i32
      %dma_wait3A_96 = tpu.memref_slice %dma_wait3A_93[%dma_wait3A_94, %dma_wait3A_95] : memref<10240x64xf32, #tpu.memory_space<hbm>> -> memref<10240x64xf32, #tpu.memory_space<hbm>>
      tpu.wait_indirect_dma semaphore(%arg16 : memref<!tpu.dma_semaphore, #tpu.memory_space<semaphore_mem>>) src(%dma_wait3A_96 : memref<10240x64xf32, #tpu.memory_space<hbm>>) dst(%arg11 : memref<128x64xf32, #tpu.memory_space<vmem>>)
      %add3A_97 = arith.constant 2 : i32
      %add3A_98 = arith.addi %mul3A_52, %add3A_97 : i32
      %dma_start3A_99 = arith.constant 0 : i32
      %dma_start3A_100 = tpu.memref_slice %arg8[%add3A_98, %dma_start3A_99] : memref<160x128xi32, #tpu.memory_space<vmem>> -> memref<1x128xi32, #tpu.memory_space<vmem>>
      %dma_start3A_101 = tpu.memref_squeeze %dma_start3A_100 : memref<1x128xi32, #tpu.memory_space<vmem>> -> memref<128xi32, #tpu.memory_space<vmem>>
      %dma_start3A_102 = arith.constant 0 : i32
      %dma_start3A_103 = arith.constant 0 : i32
      %dma_start3A_104 = tpu.memref_slice %arg13[%dma_start3A_102, %dma_start3A_103] : memref<10240x64xf32, #tpu.memory_space<vmem_shared>> -> memref<10240x64xf32, #tpu.memory_space<vmem_shared>>
      tpu.enqueue_indirect_dma source(%arg11 : memref<128x64xf32, #tpu.memory_space<vmem>>) target(%dma_start3A_104 : memref<10240x64xf32, #tpu.memory_space<vmem_shared>>) offsets(%dma_start3A_101 : memref<128xi32, #tpu.memory_space<vmem>>) semaphore(%arg20 : memref<!tpu.dma_semaphore, #tpu.memory_space<semaphore_mem>>) {add = true}
      %add3A_105 = arith.constant 3 : i32
      %add3A_106 = arith.addi %mul3A_52, %add3A_105 : i32
      %dma_wait3A_107 = arith.constant 0 : i32
      %dma_wait3A_108 = tpu.memref_slice %arg7[%add3A_106, %dma_wait3A_107] : memref<160x128xi32, #tpu.memory_space<vmem>> -> memref<1x128xi32, #tpu.memory_space<vmem>>
      %dma_wait3A_109 = tpu.memref_squeeze %dma_wait3A_108 : memref<1x128xi32, #tpu.memory_space<vmem>> -> memref<128xi32, #tpu.memory_space<vmem>>
      %dma_wait3A_110 = arith.constant 0 : i32
      %dma_wait3A_111 = tpu.memref_slice %arg2[%mul3A_0, %dma_wait3A_110] : memref<20480x64xf32, #tpu.memory_space<hbm>> -> memref<10240x64xf32, #tpu.memory_space<hbm>>
      %dma_wait3A_112 = arith.constant 0 : i32
      %dma_wait3A_113 = arith.constant 0 : i32
      %dma_wait3A_114 = tpu.memref_slice %dma_wait3A_111[%dma_wait3A_112, %dma_wait3A_113] : memref<10240x64xf32, #tpu.memory_space<hbm>> -> memref<10240x64xf32, #tpu.memory_space<hbm>>
      tpu.wait_indirect_dma semaphore(%arg17 : memref<!tpu.dma_semaphore, #tpu.memory_space<semaphore_mem>>) src(%dma_wait3A_114 : memref<10240x64xf32, #tpu.memory_space<hbm>>) dst(%arg12 : memref<128x64xf32, #tpu.memory_space<vmem>>)
      %add3A_115 = arith.constant 3 : i32
      %add3A_116 = arith.addi %mul3A_52, %add3A_115 : i32
      %dma_start3A_117 = arith.constant 0 : i32
      %dma_start3A_118 = tpu.memref_slice %arg8[%add3A_116, %dma_start3A_117] : memref<160x128xi32, #tpu.memory_space<vmem>> -> memref<1x128xi32, #tpu.memory_space<vmem>>
      %dma_start3A_119 = tpu.memref_squeeze %dma_start3A_118 : memref<1x128xi32, #tpu.memory_space<vmem>> -> memref<128xi32, #tpu.memory_space<vmem>>
      %dma_start3A_120 = arith.constant 0 : i32
      %dma_start3A_121 = arith.constant 0 : i32
      %dma_start3A_122 = tpu.memref_slice %arg13[%dma_start3A_120, %dma_start3A_121] : memref<10240x64xf32, #tpu.memory_space<vmem_shared>> -> memref<10240x64xf32, #tpu.memory_space<vmem_shared>>
      tpu.enqueue_indirect_dma source(%arg12 : memref<128x64xf32, #tpu.memory_space<vmem>>) target(%dma_start3A_122 : memref<10240x64xf32, #tpu.memory_space<vmem_shared>>) offsets(%dma_start3A_119 : memref<128xi32, #tpu.memory_space<vmem>>) semaphore(%arg21 : memref<!tpu.dma_semaphore, #tpu.memory_space<semaphore_mem>>) {add = true}
      %add3A_123 = arith.constant 0 : i32
      %add3A_124 = arith.addi %mul3A_52, %add3A_123 : i32
      %dma_wait3A_125 = arith.constant 0 : i32
      %dma_wait3A_126 = tpu.memref_slice %arg8[%add3A_124, %dma_wait3A_125] : memref<160x128xi32, #tpu.memory_space<vmem>> -> memref<1x128xi32, #tpu.memory_space<vmem>>
      %dma_wait3A_127 = tpu.memref_squeeze %dma_wait3A_126 : memref<1x128xi32, #tpu.memory_space<vmem>> -> memref<128xi32, #tpu.memory_space<vmem>>
      %dma_wait3A_128 = arith.constant 0 : i32
      %dma_wait3A_129 = arith.constant 0 : i32
      %dma_wait3A_130 = tpu.memref_slice %arg13[%dma_wait3A_128, %dma_wait3A_129] : memref<10240x64xf32, #tpu.memory_space<vmem_shared>> -> memref<10240x64xf32, #tpu.memory_space<vmem_shared>>
      tpu.wait_indirect_dma semaphore(%arg18 : memref<!tpu.dma_semaphore, #tpu.memory_space<semaphore_mem>>) src(%arg9 : memref<128x64xf32, #tpu.memory_space<vmem>>) dst(%dma_wait3A_130 : memref<10240x64xf32, #tpu.memory_space<vmem_shared>>)
      %add3A_131 = arith.constant 4 : i32
      %add3A_132 = arith.addi %mul3A_52, %add3A_131 : i32
      %add3A_133 = arith.constant 0 : i32
      %add3A_134 = arith.addi %add3A_132, %add3A_133 : i32
      %lt3A = arith.constant 160 : i32
      %lt3A_135 = arith.cmpi slt, %add3A_134, %lt3A : i32
      %convert_element_type3A = arith.extui %lt3A_135 : i1 to i32
      %cond3A = arith.constant 0 : i32
      %cond3A_136 = arith.cmpi ne, %convert_element_type3A, %cond3A : i32
      scf.if %cond3A_136 {
        %add3A_188 = arith.constant 4 : i32
        %add3A_189 = arith.addi %mul3A_52, %add3A_188 : i32
        %add3A_190 = arith.constant 0 : i32
        %add3A_191 = arith.addi %add3A_189, %add3A_190 : i32
        %dma_start3A_192 = arith.constant 0 : i32
        %dma_start3A_193 = tpu.memref_slice %arg7[%add3A_191, %dma_start3A_192] : memref<160x128xi32, #tpu.memory_space<vmem>> -> memref<1x128xi32, #tpu.memory_space<vmem>>
        %dma_start3A_194 = tpu.memref_squeeze %dma_start3A_193 : memref<1x128xi32, #tpu.memory_space<vmem>> -> memref<128xi32, #tpu.memory_space<vmem>>
        %dma_start3A_195 = arith.constant 0 : i32
        %dma_start3A_196 = tpu.memref_slice %arg2[%mul3A_0, %dma_start3A_195] : memref<20480x64xf32, #tpu.memory_space<hbm>> -> memref<10240x64xf32, #tpu.memory_space<hbm>>
        %dma_start3A_197 = arith.constant 0 : i32
        %dma_start3A_198 = arith.constant 0 : i32
        %dma_start3A_199 = tpu.memref_slice %dma_start3A_196[%dma_start3A_197, %dma_start3A_198] : memref<10240x64xf32, #tpu.memory_space<hbm>> -> memref<10240x64xf32, #tpu.memory_space<hbm>>
        tpu.enqueue_indirect_dma source(%dma_start3A_199 : memref<10240x64xf32, #tpu.memory_space<hbm>>) target(%arg9 : memref<128x64xf32, #tpu.memory_space<vmem>>) offsets(%dma_start3A_194 : memref<128xi32, #tpu.memory_space<vmem>>) semaphore(%arg14 : memref<!tpu.dma_semaphore, #tpu.memory_space<semaphore_mem>>)
      } else {
      }
      %add3A_137 = arith.constant 1 : i32
      %add3A_138 = arith.addi %mul3A_52, %add3A_137 : i32
      %dma_wait3A_139 = arith.constant 0 : i32
      %dma_wait3A_140 = tpu.memref_slice %arg8[%add3A_138, %dma_wait3A_139] : memref<160x128xi32, #tpu.memory_space<vmem>> -> memref<1x128xi32, #tpu.memory_space<vmem>>
      %dma_wait3A_141 = tpu.memref_squeeze %dma_wait3A_140 : memref<1x128xi32, #tpu.memory_space<vmem>> -> memref<128xi32, #tpu.memory_space<vmem>>
      %dma_wait3A_142 = arith.constant 0 : i32
      %dma_wait3A_143 = arith.constant 0 : i32
      %dma_wait3A_144 = tpu.memref_slice %arg13[%dma_wait3A_142, %dma_wait3A_143] : memref<10240x64xf32, #tpu.memory_space<vmem_shared>> -> memref<10240x64xf32, #tpu.memory_space<vmem_shared>>
      tpu.wait_indirect_dma semaphore(%arg19 : memref<!tpu.dma_semaphore, #tpu.memory_space<semaphore_mem>>) src(%arg10 : memref<128x64xf32, #tpu.memory_space<vmem>>) dst(%dma_wait3A_144 : memref<10240x64xf32, #tpu.memory_space<vmem_shared>>)
      %add3A_145 = arith.constant 4 : i32
      %add3A_146 = arith.addi %mul3A_52, %add3A_145 : i32
      %add3A_147 = arith.constant 1 : i32
      %add3A_148 = arith.addi %add3A_146, %add3A_147 : i32
      %lt3A_149 = arith.constant 160 : i32
      %lt3A_150 = arith.cmpi slt, %add3A_148, %lt3A_149 : i32
      %convert_element_type3A_151 = arith.extui %lt3A_150 : i1 to i32
      %cond3A_152 = arith.constant 0 : i32
      %cond3A_153 = arith.cmpi ne, %convert_element_type3A_151, %cond3A_152 : i32
      scf.if %cond3A_153 {
        %add3A_188 = arith.constant 4 : i32
        %add3A_189 = arith.addi %mul3A_52, %add3A_188 : i32
        %add3A_190 = arith.constant 1 : i32
        %add3A_191 = arith.addi %add3A_189, %add3A_190 : i32
        %dma_start3A_192 = arith.constant 0 : i32
        %dma_start3A_193 = tpu.memref_slice %arg7[%add3A_191, %dma_start3A_192] : memref<160x128xi32, #tpu.memory_space<vmem>> -> memref<1x128xi32, #tpu.memory_space<vmem>>
        %dma_start3A_194 = tpu.memref_squeeze %dma_start3A_193 : memref<1x128xi32, #tpu.memory_space<vmem>> -> memref<128xi32, #tpu.memory_space<vmem>>
        %dma_start3A_195 = arith.constant 0 : i32
        %dma_start3A_196 = tpu.memref_slice %arg2[%mul3A_0, %dma_start3A_195] : memref<20480x64xf32, #tpu.memory_space<hbm>> -> memref<10240x64xf32, #tpu.memory_space<hbm>>
        %dma_start3A_197 = arith.constant 0 : i32
        %dma_start3A_198 = arith.constant 0 : i32
        %dma_start3A_199 = tpu.memref_slice %dma_start3A_196[%dma_start3A_197, %dma_start3A_198] : memref<10240x64xf32, #tpu.memory_space<hbm>> -> memref<10240x64xf32, #tpu.memory_space<hbm>>
        tpu.enqueue_indirect_dma source(%dma_start3A_199 : memref<10240x64xf32, #tpu.memory_space<hbm>>) target(%arg10 : memref<128x64xf32, #tpu.memory_space<vmem>>) offsets(%dma_start3A_194 : memref<128xi32, #tpu.memory_space<vmem>>) semaphore(%arg15 : memref<!tpu.dma_semaphore, #tpu.memory_space<semaphore_mem>>)
      } else {
      }
      %add3A_154 = arith.constant 2 : i32
      %add3A_155 = arith.addi %mul3A_52, %add3A_154 : i32
      %dma_wait3A_156 = arith.constant 0 : i32
      %dma_wait3A_157 = tpu.memref_slice %arg8[%add3A_155, %dma_wait3A_156] : memref<160x128xi32, #tpu.memory_space<vmem>> -> memref<1x128xi32, #tpu.memory_space<vmem>>
      %dma_wait3A_158 = tpu.memref_squeeze %dma_wait3A_157 : memref<1x128xi32, #tpu.memory_space<vmem>> -> memref<128xi32, #tpu.memory_space<vmem>>
      %dma_wait3A_159 = arith.constant 0 : i32
      %dma_wait3A_160 = arith.constant 0 : i32
      %dma_wait3A_161 = tpu.memref_slice %arg13[%dma_wait3A_159, %dma_wait3A_160] : memref<10240x64xf32, #tpu.memory_space<vmem_shared>> -> memref<10240x64xf32, #tpu.memory_space<vmem_shared>>
      tpu.wait_indirect_dma semaphore(%arg20 : memref<!tpu.dma_semaphore, #tpu.memory_space<semaphore_mem>>) src(%arg11 : memref<128x64xf32, #tpu.memory_space<vmem>>) dst(%dma_wait3A_161 : memref<10240x64xf32, #tpu.memory_space<vmem_shared>>)
      %add3A_162 = arith.constant 4 : i32
      %add3A_163 = arith.addi %mul3A_52, %add3A_162 : i32
      %add3A_164 = arith.constant 2 : i32
      %add3A_165 = arith.addi %add3A_163, %add3A_164 : i32
      %lt3A_166 = arith.constant 160 : i32
      %lt3A_167 = arith.cmpi slt, %add3A_165, %lt3A_166 : i32
      %convert_element_type3A_168 = arith.extui %lt3A_167 : i1 to i32
      %cond3A_169 = arith.constant 0 : i32
      %cond3A_170 = arith.cmpi ne, %convert_element_type3A_168, %cond3A_169 : i32
      scf.if %cond3A_170 {
        %add3A_188 = arith.constant 4 : i32
        %add3A_189 = arith.addi %mul3A_52, %add3A_188 : i32
        %add3A_190 = arith.constant 2 : i32
        %add3A_191 = arith.addi %add3A_189, %add3A_190 : i32
        %dma_start3A_192 = arith.constant 0 : i32
        %dma_start3A_193 = tpu.memref_slice %arg7[%add3A_191, %dma_start3A_192] : memref<160x128xi32, #tpu.memory_space<vmem>> -> memref<1x128xi32, #tpu.memory_space<vmem>>
        %dma_start3A_194 = tpu.memref_squeeze %dma_start3A_193 : memref<1x128xi32, #tpu.memory_space<vmem>> -> memref<128xi32, #tpu.memory_space<vmem>>
        %dma_start3A_195 = arith.constant 0 : i32
        %dma_start3A_196 = tpu.memref_slice %arg2[%mul3A_0, %dma_start3A_195] : memref<20480x64xf32, #tpu.memory_space<hbm>> -> memref<10240x64xf32, #tpu.memory_space<hbm>>
        %dma_start3A_197 = arith.constant 0 : i32
        %dma_start3A_198 = arith.constant 0 : i32
        %dma_start3A_199 = tpu.memref_slice %dma_start3A_196[%dma_start3A_197, %dma_start3A_198] : memref<10240x64xf32, #tpu.memory_space<hbm>> -> memref<10240x64xf32, #tpu.memory_space<hbm>>
        tpu.enqueue_indirect_dma source(%dma_start3A_199 : memref<10240x64xf32, #tpu.memory_space<hbm>>) target(%arg11 : memref<128x64xf32, #tpu.memory_space<vmem>>) offsets(%dma_start3A_194 : memref<128xi32, #tpu.memory_space<vmem>>) semaphore(%arg16 : memref<!tpu.dma_semaphore, #tpu.memory_space<semaphore_mem>>)
      } else {
      }
      %add3A_171 = arith.constant 3 : i32
      %add3A_172 = arith.addi %mul3A_52, %add3A_171 : i32
      %dma_wait3A_173 = arith.constant 0 : i32
      %dma_wait3A_174 = tpu.memref_slice %arg8[%add3A_172, %dma_wait3A_173] : memref<160x128xi32, #tpu.memory_space<vmem>> -> memref<1x128xi32, #tpu.memory_space<vmem>>
      %dma_wait3A_175 = tpu.memref_squeeze %dma_wait3A_174 : memref<1x128xi32, #tpu.memory_space<vmem>> -> memref<128xi32, #tpu.memory_space<vmem>>
      %dma_wait3A_176 = arith.constant 0 : i32
      %dma_wait3A_177 = arith.constant 0 : i32
      %dma_wait3A_178 = tpu.memref_slice %arg13[%dma_wait3A_176, %dma_wait3A_177] : memref<10240x64xf32, #tpu.memory_space<vmem_shared>> -> memref<10240x64xf32, #tpu.memory_space<vmem_shared>>
      tpu.wait_indirect_dma semaphore(%arg21 : memref<!tpu.dma_semaphore, #tpu.memory_space<semaphore_mem>>) src(%arg12 : memref<128x64xf32, #tpu.memory_space<vmem>>) dst(%dma_wait3A_178 : memref<10240x64xf32, #tpu.memory_space<vmem_shared>>)
      %add3A_179 = arith.constant 4 : i32
      %add3A_180 = arith.addi %mul3A_52, %add3A_179 : i32
      %add3A_181 = arith.constant 3 : i32
      %add3A_182 = arith.addi %add3A_180, %add3A_181 : i32
      %lt3A_183 = arith.constant 160 : i32
      %lt3A_184 = arith.cmpi slt, %add3A_182, %lt3A_183 : i32
      %convert_element_type3A_185 = arith.extui %lt3A_184 : i1 to i32
      %cond3A_186 = arith.constant 0 : i32
      %cond3A_187 = arith.cmpi ne, %convert_element_type3A_185, %cond3A_186 : i32
      scf.if %cond3A_187 {
        %add3A_188 = arith.constant 4 : i32
        %add3A_189 = arith.addi %mul3A_52, %add3A_188 : i32
        %add3A_190 = arith.constant 3 : i32
        %add3A_191 = arith.addi %add3A_189, %add3A_190 : i32
        %dma_start3A_192 = arith.constant 0 : i32
        %dma_start3A_193 = tpu.memref_slice %arg7[%add3A_191, %dma_start3A_192] : memref<160x128xi32, #tpu.memory_space<vmem>> -> memref<1x128xi32, #tpu.memory_space<vmem>>
        %dma_start3A_194 = tpu.memref_squeeze %dma_start3A_193 : memref<1x128xi32, #tpu.memory_space<vmem>> -> memref<128xi32, #tpu.memory_space<vmem>>
        %dma_start3A_195 = arith.constant 0 : i32
        %dma_start3A_196 = tpu.memref_slice %arg2[%mul3A_0, %dma_start3A_195] : memref<20480x64xf32, #tpu.memory_space<hbm>> -> memref<10240x64xf32, #tpu.memory_space<hbm>>
        %dma_start3A_197 = arith.constant 0 : i32
        %dma_start3A_198 = arith.constant 0 : i32
        %dma_start3A_199 = tpu.memref_slice %dma_start3A_196[%dma_start3A_197, %dma_start3A_198] : memref<10240x64xf32, #tpu.memory_space<hbm>> -> memref<10240x64xf32, #tpu.memory_space<hbm>>
        tpu.enqueue_indirect_dma source(%dma_start3A_199 : memref<10240x64xf32, #tpu.memory_space<hbm>>) target(%arg12 : memref<128x64xf32, #tpu.memory_space<vmem>>) offsets(%dma_start3A_194 : memref<128xi32, #tpu.memory_space<vmem>>) semaphore(%arg17 : memref<!tpu.dma_semaphore, #tpu.memory_space<semaphore_mem>>)
      } else {
      }
    }
    %scan3A_42 = arith.constant 40 : i32
    %barrier3A_43 = arith.constant 0 : index
    tpu.barrier barrier_id(%barrier3A_43)
    %mul3A_44 = arith.constant 640 : i32
    %mul3A_45 = arith.muli %arg1, %mul3A_44 : i32
    %mul3A_46 = arith.constant 640 : i32
    %mul3A_47 = arith.muli %arg1, %mul3A_46 : i32
    %mul3A_48 = arith.constant 64 : i32
    %mul3A_49 = arith.muli %arg0, %mul3A_48 : i32
    "tpu.region"() ({
      %run_scoped3A = tpu.sem_alloc : memref<!tpu.dma_semaphore, #tpu.memory_space<semaphore_mem>>
      %dma_start3A_50 = tpu.memref_slice %arg6[%mul3A_47, %mul3A_49] : memref<10240x128xf32, #tpu.memory_space<hbm>> -> memref<640x64xf32, #tpu.memory_space<hbm>>
      %dma_start3A_51 = arith.constant 0 : i32
      %dma_start3A_52 = tpu.memref_slice %arg13[%mul3A_45, %dma_start3A_51] : memref<10240x64xf32, #tpu.memory_space<vmem_shared>> -> memref<640x64xf32, #tpu.memory_space<vmem_shared>>
      tpu.enqueue_dma source(%dma_start3A_52 : memref<640x64xf32, #tpu.memory_space<vmem_shared>>) target(%dma_start3A_50 : memref<640x64xf32, #tpu.memory_space<hbm>>) target_semaphore(%run_scoped3A : memref<!tpu.dma_semaphore, #tpu.memory_space<semaphore_mem>>)
      %dma_wait3A = tpu.memref_slice %arg6[%mul3A_47, %mul3A_49] : memref<10240x128xf32, #tpu.memory_space<hbm>> -> memref<640x64xf32, #tpu.memory_space<hbm>>
      %dma_wait3A_53 = arith.constant 0 : i32
      %dma_wait3A_54 = tpu.memref_slice %arg13[%mul3A_45, %dma_wait3A_53] : memref<10240x64xf32, #tpu.memory_space<vmem_shared>> -> memref<640x64xf32, #tpu.memory_space<vmem_shared>>
      tpu.wait_dma2 semaphore(%run_scoped3A : memref<!tpu.dma_semaphore, #tpu.memory_space<semaphore_mem>>) src(%dma_wait3A_54 : memref<640x64xf32, #tpu.memory_space<vmem_shared>>) dst(%dma_wait3A : memref<640x64xf32, #tpu.memory_space<hbm>>)
      tpu.yield
    }) : () -> ()
    return
  }
}

#map = affine_map<(d0, d1) -> (0, 0, 0)>
#map1 = affine_map<(d0, d1) -> (0)>
#map2 = affine_map<(d0, d1) -> (0, 0)>
module attributes {stable_mosaic.version = 14 : i64} {
  func.func @_degree_body(%arg0: i32, %arg1: i32, %arg2: memref<32x80x128xi32, #tpu.memory_space<hbm>>, %arg3: memref<128xf32, #tpu.memory_space<hbm>>, %arg4: memref<640xf32, #tpu.memory_space<hbm>>, %arg5: memref<2x10240xf32, #tpu.memory_space<hbm>>, %arg6: memref<80x128xi32, #tpu.memory_space<vmem>>, %arg7: memref<128xf32, #tpu.memory_space<vmem>>, %arg8: memref<10240xf32, #tpu.memory_space<vmem_shared>>, %arg9: memref<!tpu.dma_semaphore, #tpu.memory_space<semaphore_mem>>) attributes {dimension_semantics = [#tpu.dimension_semantics<core_parallel>, #tpu.dimension_semantics<subcore_parallel>], iteration_bounds = array<i64: 2, 16>, scalar_prefetch = 0 : i64, scratch_operands = 4 : i64, tpu.core_type = #tpu.core_type<sc_vector_subcore>, window_params = [{transform_indices = #map}, {transform_indices = #map1}, {transform_indices = #map1}, {transform_indices = #map2}]} {
    %mul3A = arith.constant 16 : i32
    %mul3A_0 = arith.muli %arg0, %mul3A : i32
    %add3A = arith.addi %mul3A_0, %arg1 : i32
    "tpu.region"() ({
      %run_scoped3A = tpu.sem_alloc : memref<!tpu.dma_semaphore, #tpu.memory_space<semaphore_mem>>
      %dma_start3A = arith.constant 0 : i32
      %dma_start3A_19 = arith.constant 0 : i32
      %dma_start3A_20 = tpu.memref_slice %arg2[%add3A, %dma_start3A, %dma_start3A_19] : memref<32x80x128xi32, #tpu.memory_space<hbm>> -> memref<1x80x128xi32, #tpu.memory_space<hbm>>
      %dma_start3A_21 = tpu.memref_squeeze %dma_start3A_20 : memref<1x80x128xi32, #tpu.memory_space<hbm>> -> memref<80x128xi32, #tpu.memory_space<hbm>>
      %dma_start3A_22 = arith.constant 0 : i32
      %dma_start3A_23 = arith.constant 0 : i32
      %dma_start3A_24 = tpu.memref_slice %arg2[%add3A, %dma_start3A_22, %dma_start3A_23] : memref<32x80x128xi32, #tpu.memory_space<hbm>> -> memref<1x80x128xi32, #tpu.memory_space<hbm>>
      %dma_start3A_25 = tpu.memref_squeeze %dma_start3A_24 : memref<1x80x128xi32, #tpu.memory_space<hbm>> -> memref<80x128xi32, #tpu.memory_space<hbm>>
      tpu.enqueue_dma source(%dma_start3A_25 : memref<80x128xi32, #tpu.memory_space<hbm>>) target(%arg6 : memref<80x128xi32, #tpu.memory_space<vmem>>) target_semaphore(%run_scoped3A : memref<!tpu.dma_semaphore, #tpu.memory_space<semaphore_mem>>)
      %dma_wait3A = arith.constant 0 : i32
      %dma_wait3A_26 = arith.constant 0 : i32
      %dma_wait3A_27 = tpu.memref_slice %arg2[%add3A, %dma_wait3A, %dma_wait3A_26] : memref<32x80x128xi32, #tpu.memory_space<hbm>> -> memref<1x80x128xi32, #tpu.memory_space<hbm>>
      %dma_wait3A_28 = tpu.memref_squeeze %dma_wait3A_27 : memref<1x80x128xi32, #tpu.memory_space<hbm>> -> memref<80x128xi32, #tpu.memory_space<hbm>>
      %dma_wait3A_29 = arith.constant 0 : i32
      %dma_wait3A_30 = arith.constant 0 : i32
      %dma_wait3A_31 = tpu.memref_slice %arg2[%add3A, %dma_wait3A_29, %dma_wait3A_30] : memref<32x80x128xi32, #tpu.memory_space<hbm>> -> memref<1x80x128xi32, #tpu.memory_space<hbm>>
      %dma_wait3A_32 = tpu.memref_squeeze %dma_wait3A_31 : memref<1x80x128xi32, #tpu.memory_space<hbm>> -> memref<80x128xi32, #tpu.memory_space<hbm>>
      tpu.wait_dma2 semaphore(%run_scoped3A : memref<!tpu.dma_semaphore, #tpu.memory_space<semaphore_mem>>) src(%dma_wait3A_32 : memref<80x128xi32, #tpu.memory_space<hbm>>) dst(%arg6 : memref<80x128xi32, #tpu.memory_space<vmem>>)
      tpu.yield
    }) : () -> ()
    "tpu.region"() ({
      %run_scoped3A = tpu.sem_alloc : memref<!tpu.dma_semaphore, #tpu.memory_space<semaphore_mem>>
      tpu.enqueue_dma source(%arg3 : memref<128xf32, #tpu.memory_space<hbm>>) target(%arg7 : memref<128xf32, #tpu.memory_space<vmem>>) target_semaphore(%run_scoped3A : memref<!tpu.dma_semaphore, #tpu.memory_space<semaphore_mem>>)
      tpu.wait_dma2 semaphore(%run_scoped3A : memref<!tpu.dma_semaphore, #tpu.memory_space<semaphore_mem>>) src(%arg3 : memref<128xf32, #tpu.memory_space<hbm>>) dst(%arg7 : memref<128xf32, #tpu.memory_space<vmem>>)
      tpu.yield
    }) : () -> ()
    %mul3A_1 = arith.constant 640 : i32
    %mul3A_2 = arith.muli %arg1, %mul3A_1 : i32
    "tpu.region"() ({
      %run_scoped3A = tpu.sem_alloc : memref<!tpu.dma_semaphore, #tpu.memory_space<semaphore_mem>>
      %dma_start3A = tpu.memref_slice %arg8[%mul3A_2] : memref<10240xf32, #tpu.memory_space<vmem_shared>> -> memref<640xf32, #tpu.memory_space<vmem_shared>>
      tpu.enqueue_dma source(%arg4 : memref<640xf32, #tpu.memory_space<hbm>>) target(%dma_start3A : memref<640xf32, #tpu.memory_space<vmem_shared>>) target_semaphore(%run_scoped3A : memref<!tpu.dma_semaphore, #tpu.memory_space<semaphore_mem>>)
      %dma_wait3A = tpu.memref_slice %arg8[%mul3A_2] : memref<10240xf32, #tpu.memory_space<vmem_shared>> -> memref<640xf32, #tpu.memory_space<vmem_shared>>
      tpu.wait_dma2 semaphore(%run_scoped3A : memref<!tpu.dma_semaphore, #tpu.memory_space<semaphore_mem>>) src(%arg4 : memref<640xf32, #tpu.memory_space<hbm>>) dst(%dma_wait3A : memref<640xf32, #tpu.memory_space<vmem_shared>>)
      tpu.yield
    }) : () -> ()
    %barrier3A = arith.constant 0 : index
    tpu.barrier barrier_id(%barrier3A)
    %scan3A = arith.constant 0 : i32
    %scan3A_3 = arith.constant 0 : i32
    %scan3A_4 = arith.constant 80 : i32
    %scan3A_5 = arith.addi %scan3A_3, %scan3A_4 : i32
    %scan3A_6 = arith.constant 1 : i32
    scf.for %scan3A_19 = %scan3A_3 to %scan3A_5 step %scan3A_6  : i32 {
      %dma_start3A = arith.constant 0 : i32
      %dma_start3A_20 = tpu.memref_slice %arg6[%scan3A_19, %dma_start3A] : memref<80x128xi32, #tpu.memory_space<vmem>> -> memref<1x128xi32, #tpu.memory_space<vmem>>
      %dma_start3A_21 = tpu.memref_squeeze %dma_start3A_20 : memref<1x128xi32, #tpu.memory_space<vmem>> -> memref<128xi32, #tpu.memory_space<vmem>>
      %dma_start3A_22 = arith.constant 0 : i32
      %dma_start3A_23 = tpu.memref_slice %arg8[%dma_start3A_22] : memref<10240xf32, #tpu.memory_space<vmem_shared>> -> memref<10240xf32, #tpu.memory_space<vmem_shared>>
      tpu.enqueue_indirect_dma source(%arg7 : memref<128xf32, #tpu.memory_space<vmem>>) target(%dma_start3A_23 : memref<10240xf32, #tpu.memory_space<vmem_shared>>) offsets(%dma_start3A_21 : memref<128xi32, #tpu.memory_space<vmem>>) semaphore(%arg9 : memref<!tpu.dma_semaphore, #tpu.memory_space<semaphore_mem>>) {add = true}
    }
    %scan3A_7 = arith.constant 80 : i32
    %scan3A_8 = arith.constant 0 : i32
    %scan3A_9 = arith.constant 0 : i32
    %scan3A_10 = arith.constant 80 : i32
    %scan3A_11 = arith.addi %scan3A_9, %scan3A_10 : i32
    %scan3A_12 = arith.constant 1 : i32
    scf.for %scan3A_19 = %scan3A_9 to %scan3A_11 step %scan3A_12  : i32 {
      %dma_wait3A = arith.constant 0 : i32
      %dma_wait3A_20 = tpu.memref_slice %arg6[%scan3A_19, %dma_wait3A] : memref<80x128xi32, #tpu.memory_space<vmem>> -> memref<1x128xi32, #tpu.memory_space<vmem>>
      %dma_wait3A_21 = tpu.memref_squeeze %dma_wait3A_20 : memref<1x128xi32, #tpu.memory_space<vmem>> -> memref<128xi32, #tpu.memory_space<vmem>>
      %dma_wait3A_22 = arith.constant 0 : i32
      %dma_wait3A_23 = tpu.memref_slice %arg8[%dma_wait3A_22] : memref<10240xf32, #tpu.memory_space<vmem_shared>> -> memref<10240xf32, #tpu.memory_space<vmem_shared>>
      tpu.wait_indirect_dma semaphore(%arg9 : memref<!tpu.dma_semaphore, #tpu.memory_space<semaphore_mem>>) src(%arg7 : memref<128xf32, #tpu.memory_space<vmem>>) dst(%dma_wait3A_23 : memref<10240xf32, #tpu.memory_space<vmem_shared>>)
    }
    %scan3A_13 = arith.constant 80 : i32
    %barrier3A_14 = arith.constant 0 : index
    tpu.barrier barrier_id(%barrier3A_14)
    %mul3A_15 = arith.constant 640 : i32
    %mul3A_16 = arith.muli %arg1, %mul3A_15 : i32
    %mul3A_17 = arith.constant 640 : i32
    %mul3A_18 = arith.muli %arg1, %mul3A_17 : i32
    "tpu.region"() ({
      %run_scoped3A = tpu.sem_alloc : memref<!tpu.dma_semaphore, #tpu.memory_space<semaphore_mem>>
      %dma_start3A = tpu.memref_slice %arg5[%arg0, %mul3A_18] : memref<2x10240xf32, #tpu.memory_space<hbm>> -> memref<1x640xf32, #tpu.memory_space<hbm>>
      %dma_start3A_19 = tpu.memref_squeeze %dma_start3A : memref<1x640xf32, #tpu.memory_space<hbm>> -> memref<640xf32, #tpu.memory_space<hbm>>
      %dma_start3A_20 = tpu.memref_slice %arg8[%mul3A_16] : memref<10240xf32, #tpu.memory_space<vmem_shared>> -> memref<640xf32, #tpu.memory_space<vmem_shared>>
      tpu.enqueue_dma source(%dma_start3A_20 : memref<640xf32, #tpu.memory_space<vmem_shared>>) target(%dma_start3A_19 : memref<640xf32, #tpu.memory_space<hbm>>) target_semaphore(%run_scoped3A : memref<!tpu.dma_semaphore, #tpu.memory_space<semaphore_mem>>)
      %dma_wait3A = tpu.memref_slice %arg5[%arg0, %mul3A_18] : memref<2x10240xf32, #tpu.memory_space<hbm>> -> memref<1x640xf32, #tpu.memory_space<hbm>>
      %dma_wait3A_21 = tpu.memref_squeeze %dma_wait3A : memref<1x640xf32, #tpu.memory_space<hbm>> -> memref<640xf32, #tpu.memory_space<hbm>>
      %dma_wait3A_22 = tpu.memref_slice %arg8[%mul3A_16] : memref<10240xf32, #tpu.memory_space<vmem_shared>> -> memref<640xf32, #tpu.memory_space<vmem_shared>>
      tpu.wait_dma2 semaphore(%run_scoped3A : memref<!tpu.dma_semaphore, #tpu.memory_space<semaphore_mem>>) src(%dma_wait3A_22 : memref<640xf32, #tpu.memory_space<vmem_shared>>) dst(%dma_wait3A_21 : memref<640xf32, #tpu.memory_space<hbm>>)
      tpu.yield
    }) : () -> ()
    return
  }
}

#map = affine_map<(d0, d1) -> (0, 0)>
#map1 = affine_map<(d0, d1) -> (0, 0, 0)>
module attributes {stable_mosaic.version = 14 : i64} {
  func.func @_scatter_body(%arg0: i32, %arg1: i32, %arg2: memref<10240x48xf32, #tpu.memory_space<hbm>>, %arg3: memref<32x80x128xi32, #tpu.memory_space<hbm>>, %arg4: memref<32x80x128xi32, #tpu.memory_space<hbm>>, %arg5: memref<640x48xf32, #tpu.memory_space<hbm>>, %arg6: memref<2x10240x48xf32, #tpu.memory_space<hbm>>, %arg7: memref<80x128xi32, #tpu.memory_space<vmem>>, %arg8: memref<80x128xi32, #tpu.memory_space<vmem>>, %arg9: memref<128x48xf32, #tpu.memory_space<vmem>>, %arg10: memref<128x48xf32, #tpu.memory_space<vmem>>, %arg11: memref<128x48xf32, #tpu.memory_space<vmem>>, %arg12: memref<128x48xf32, #tpu.memory_space<vmem>>, %arg13: memref<10240x48xf32, #tpu.memory_space<vmem_shared>>, %arg14: memref<!tpu.dma_semaphore, #tpu.memory_space<semaphore_mem>>, %arg15: memref<!tpu.dma_semaphore, #tpu.memory_space<semaphore_mem>>, %arg16: memref<!tpu.dma_semaphore, #tpu.memory_space<semaphore_mem>>, %arg17: memref<!tpu.dma_semaphore, #tpu.memory_space<semaphore_mem>>, %arg18: memref<!tpu.dma_semaphore, #tpu.memory_space<semaphore_mem>>, %arg19: memref<!tpu.dma_semaphore, #tpu.memory_space<semaphore_mem>>, %arg20: memref<!tpu.dma_semaphore, #tpu.memory_space<semaphore_mem>>, %arg21: memref<!tpu.dma_semaphore, #tpu.memory_space<semaphore_mem>>) attributes {dimension_semantics = [#tpu.dimension_semantics<core_parallel>, #tpu.dimension_semantics<subcore_parallel>], iteration_bounds = array<i64: 2, 16>, scalar_prefetch = 0 : i64, scratch_operands = 15 : i64, tpu.core_type = #tpu.core_type<sc_vector_subcore>, window_params = [{transform_indices = #map}, {transform_indices = #map1}, {transform_indices = #map1}, {transform_indices = #map}, {transform_indices = #map1}]} {
    %mul3A = arith.constant 16 : i32
    %mul3A_0 = arith.muli %arg0, %mul3A : i32
    %add3A = arith.addi %mul3A_0, %arg1 : i32
    "tpu.region"() ({
      %run_scoped3A = tpu.sem_alloc : memref<!tpu.dma_semaphore, #tpu.memory_space<semaphore_mem>>
      %dma_start3A_40 = arith.constant 0 : i32
      %dma_start3A_41 = arith.constant 0 : i32
      %dma_start3A_42 = tpu.memref_slice %arg3[%add3A, %dma_start3A_40, %dma_start3A_41] : memref<32x80x128xi32, #tpu.memory_space<hbm>> -> memref<1x80x128xi32, #tpu.memory_space<hbm>>
      %dma_start3A_43 = tpu.memref_squeeze %dma_start3A_42 : memref<1x80x128xi32, #tpu.memory_space<hbm>> -> memref<80x128xi32, #tpu.memory_space<hbm>>
      %dma_start3A_44 = arith.constant 0 : i32
      %dma_start3A_45 = arith.constant 0 : i32
      %dma_start3A_46 = tpu.memref_slice %arg3[%add3A, %dma_start3A_44, %dma_start3A_45] : memref<32x80x128xi32, #tpu.memory_space<hbm>> -> memref<1x80x128xi32, #tpu.memory_space<hbm>>
      %dma_start3A_47 = tpu.memref_squeeze %dma_start3A_46 : memref<1x80x128xi32, #tpu.memory_space<hbm>> -> memref<80x128xi32, #tpu.memory_space<hbm>>
      tpu.enqueue_dma source(%dma_start3A_47 : memref<80x128xi32, #tpu.memory_space<hbm>>) target(%arg7 : memref<80x128xi32, #tpu.memory_space<vmem>>) target_semaphore(%run_scoped3A : memref<!tpu.dma_semaphore, #tpu.memory_space<semaphore_mem>>)
      %dma_wait3A = arith.constant 0 : i32
      %dma_wait3A_48 = arith.constant 0 : i32
      %dma_wait3A_49 = tpu.memref_slice %arg3[%add3A, %dma_wait3A, %dma_wait3A_48] : memref<32x80x128xi32, #tpu.memory_space<hbm>> -> memref<1x80x128xi32, #tpu.memory_space<hbm>>
      %dma_wait3A_50 = tpu.memref_squeeze %dma_wait3A_49 : memref<1x80x128xi32, #tpu.memory_space<hbm>> -> memref<80x128xi32, #tpu.memory_space<hbm>>
      %dma_wait3A_51 = arith.constant 0 : i32
      %dma_wait3A_52 = arith.constant 0 : i32
      %dma_wait3A_53 = tpu.memref_slice %arg3[%add3A, %dma_wait3A_51, %dma_wait3A_52] : memref<32x80x128xi32, #tpu.memory_space<hbm>> -> memref<1x80x128xi32, #tpu.memory_space<hbm>>
      %dma_wait3A_54 = tpu.memref_squeeze %dma_wait3A_53 : memref<1x80x128xi32, #tpu.memory_space<hbm>> -> memref<80x128xi32, #tpu.memory_space<hbm>>
      tpu.wait_dma2 semaphore(%run_scoped3A : memref<!tpu.dma_semaphore, #tpu.memory_space<semaphore_mem>>) src(%dma_wait3A_54 : memref<80x128xi32, #tpu.memory_space<hbm>>) dst(%arg7 : memref<80x128xi32, #tpu.memory_space<vmem>>)
      tpu.yield
    }) : () -> ()
    "tpu.region"() ({
      %run_scoped3A = tpu.sem_alloc : memref<!tpu.dma_semaphore, #tpu.memory_space<semaphore_mem>>
      %dma_start3A_40 = arith.constant 0 : i32
      %dma_start3A_41 = arith.constant 0 : i32
      %dma_start3A_42 = tpu.memref_slice %arg4[%add3A, %dma_start3A_40, %dma_start3A_41] : memref<32x80x128xi32, #tpu.memory_space<hbm>> -> memref<1x80x128xi32, #tpu.memory_space<hbm>>
      %dma_start3A_43 = tpu.memref_squeeze %dma_start3A_42 : memref<1x80x128xi32, #tpu.memory_space<hbm>> -> memref<80x128xi32, #tpu.memory_space<hbm>>
      %dma_start3A_44 = arith.constant 0 : i32
      %dma_start3A_45 = arith.constant 0 : i32
      %dma_start3A_46 = tpu.memref_slice %arg4[%add3A, %dma_start3A_44, %dma_start3A_45] : memref<32x80x128xi32, #tpu.memory_space<hbm>> -> memref<1x80x128xi32, #tpu.memory_space<hbm>>
      %dma_start3A_47 = tpu.memref_squeeze %dma_start3A_46 : memref<1x80x128xi32, #tpu.memory_space<hbm>> -> memref<80x128xi32, #tpu.memory_space<hbm>>
      tpu.enqueue_dma source(%dma_start3A_47 : memref<80x128xi32, #tpu.memory_space<hbm>>) target(%arg8 : memref<80x128xi32, #tpu.memory_space<vmem>>) target_semaphore(%run_scoped3A : memref<!tpu.dma_semaphore, #tpu.memory_space<semaphore_mem>>)
      %dma_wait3A = arith.constant 0 : i32
      %dma_wait3A_48 = arith.constant 0 : i32
      %dma_wait3A_49 = tpu.memref_slice %arg4[%add3A, %dma_wait3A, %dma_wait3A_48] : memref<32x80x128xi32, #tpu.memory_space<hbm>> -> memref<1x80x128xi32, #tpu.memory_space<hbm>>
      %dma_wait3A_50 = tpu.memref_squeeze %dma_wait3A_49 : memref<1x80x128xi32, #tpu.memory_space<hbm>> -> memref<80x128xi32, #tpu.memory_space<hbm>>
      %dma_wait3A_51 = arith.constant 0 : i32
      %dma_wait3A_52 = arith.constant 0 : i32
      %dma_wait3A_53 = tpu.memref_slice %arg4[%add3A, %dma_wait3A_51, %dma_wait3A_52] : memref<32x80x128xi32, #tpu.memory_space<hbm>> -> memref<1x80x128xi32, #tpu.memory_space<hbm>>
      %dma_wait3A_54 = tpu.memref_squeeze %dma_wait3A_53 : memref<1x80x128xi32, #tpu.memory_space<hbm>> -> memref<80x128xi32, #tpu.memory_space<hbm>>
      tpu.wait_dma2 semaphore(%run_scoped3A : memref<!tpu.dma_semaphore, #tpu.memory_space<semaphore_mem>>) src(%dma_wait3A_54 : memref<80x128xi32, #tpu.memory_space<hbm>>) dst(%arg8 : memref<80x128xi32, #tpu.memory_space<vmem>>)
      tpu.yield
    }) : () -> ()
    %dma_start3A = arith.constant 0 : i32
    %dma_start3A_1 = arith.constant 0 : i32
    %dma_start3A_2 = tpu.memref_slice %arg7[%dma_start3A, %dma_start3A_1] : memref<80x128xi32, #tpu.memory_space<vmem>> -> memref<1x128xi32, #tpu.memory_space<vmem>>
    %dma_start3A_3 = tpu.memref_squeeze %dma_start3A_2 : memref<1x128xi32, #tpu.memory_space<vmem>> -> memref<128xi32, #tpu.memory_space<vmem>>
    %dma_start3A_4 = arith.constant 0 : i32
    %dma_start3A_5 = arith.constant 0 : i32
    %dma_start3A_6 = tpu.memref_slice %arg2[%dma_start3A_4, %dma_start3A_5] : memref<10240x48xf32, #tpu.memory_space<hbm>> -> memref<10240x48xf32, #tpu.memory_space<hbm>>
    tpu.enqueue_indirect_dma source(%dma_start3A_6 : memref<10240x48xf32, #tpu.memory_space<hbm>>) target(%arg9 : memref<128x48xf32, #tpu.memory_space<vmem>>) offsets(%dma_start3A_3 : memref<128xi32, #tpu.memory_space<vmem>>) semaphore(%arg14 : memref<!tpu.dma_semaphore, #tpu.memory_space<semaphore_mem>>)
    %dma_start3A_7 = arith.constant 1 : i32
    %dma_start3A_8 = arith.constant 0 : i32
    %dma_start3A_9 = tpu.memref_slice %arg7[%dma_start3A_7, %dma_start3A_8] : memref<80x128xi32, #tpu.memory_space<vmem>> -> memref<1x128xi32, #tpu.memory_space<vmem>>
    %dma_start3A_10 = tpu.memref_squeeze %dma_start3A_9 : memref<1x128xi32, #tpu.memory_space<vmem>> -> memref<128xi32, #tpu.memory_space<vmem>>
    %dma_start3A_11 = arith.constant 0 : i32
    %dma_start3A_12 = arith.constant 0 : i32
    %dma_start3A_13 = tpu.memref_slice %arg2[%dma_start3A_11, %dma_start3A_12] : memref<10240x48xf32, #tpu.memory_space<hbm>> -> memref<10240x48xf32, #tpu.memory_space<hbm>>
    tpu.enqueue_indirect_dma source(%dma_start3A_13 : memref<10240x48xf32, #tpu.memory_space<hbm>>) target(%arg10 : memref<128x48xf32, #tpu.memory_space<vmem>>) offsets(%dma_start3A_10 : memref<128xi32, #tpu.memory_space<vmem>>) semaphore(%arg15 : memref<!tpu.dma_semaphore, #tpu.memory_space<semaphore_mem>>)
    %dma_start3A_14 = arith.constant 2 : i32
    %dma_start3A_15 = arith.constant 0 : i32
    %dma_start3A_16 = tpu.memref_slice %arg7[%dma_start3A_14, %dma_start3A_15] : memref<80x128xi32, #tpu.memory_space<vmem>> -> memref<1x128xi32, #tpu.memory_space<vmem>>
    %dma_start3A_17 = tpu.memref_squeeze %dma_start3A_16 : memref<1x128xi32, #tpu.memory_space<vmem>> -> memref<128xi32, #tpu.memory_space<vmem>>
    %dma_start3A_18 = arith.constant 0 : i32
    %dma_start3A_19 = arith.constant 0 : i32
    %dma_start3A_20 = tpu.memref_slice %arg2[%dma_start3A_18, %dma_start3A_19] : memref<10240x48xf32, #tpu.memory_space<hbm>> -> memref<10240x48xf32, #tpu.memory_space<hbm>>
    tpu.enqueue_indirect_dma source(%dma_start3A_20 : memref<10240x48xf32, #tpu.memory_space<hbm>>) target(%arg11 : memref<128x48xf32, #tpu.memory_space<vmem>>) offsets(%dma_start3A_17 : memref<128xi32, #tpu.memory_space<vmem>>) semaphore(%arg16 : memref<!tpu.dma_semaphore, #tpu.memory_space<semaphore_mem>>)
    %dma_start3A_21 = arith.constant 3 : i32
    %dma_start3A_22 = arith.constant 0 : i32
    %dma_start3A_23 = tpu.memref_slice %arg7[%dma_start3A_21, %dma_start3A_22] : memref<80x128xi32, #tpu.memory_space<vmem>> -> memref<1x128xi32, #tpu.memory_space<vmem>>
    %dma_start3A_24 = tpu.memref_squeeze %dma_start3A_23 : memref<1x128xi32, #tpu.memory_space<vmem>> -> memref<128xi32, #tpu.memory_space<vmem>>
    %dma_start3A_25 = arith.constant 0 : i32
    %dma_start3A_26 = arith.constant 0 : i32
    %dma_start3A_27 = tpu.memref_slice %arg2[%dma_start3A_25, %dma_start3A_26] : memref<10240x48xf32, #tpu.memory_space<hbm>> -> memref<10240x48xf32, #tpu.memory_space<hbm>>
    tpu.enqueue_indirect_dma source(%dma_start3A_27 : memref<10240x48xf32, #tpu.memory_space<hbm>>) target(%arg12 : memref<128x48xf32, #tpu.memory_space<vmem>>) offsets(%dma_start3A_24 : memref<128xi32, #tpu.memory_space<vmem>>) semaphore(%arg17 : memref<!tpu.dma_semaphore, #tpu.memory_space<semaphore_mem>>)
    %mul3A_28 = arith.constant 640 : i32
    %mul3A_29 = arith.muli %arg1, %mul3A_28 : i32
    "tpu.region"() ({
      %run_scoped3A = tpu.sem_alloc : memref<!tpu.dma_semaphore, #tpu.memory_space<semaphore_mem>>
      %dma_start3A_40 = arith.constant 0 : i32
      %dma_start3A_41 = tpu.memref_slice %arg13[%mul3A_29, %dma_start3A_40] : memref<10240x48xf32, #tpu.memory_space<vmem_shared>> -> memref<640x48xf32, #tpu.memory_space<vmem_shared>>
      tpu.enqueue_dma source(%arg5 : memref<640x48xf32, #tpu.memory_space<hbm>>) target(%dma_start3A_41 : memref<640x48xf32, #tpu.memory_space<vmem_shared>>) target_semaphore(%run_scoped3A : memref<!tpu.dma_semaphore, #tpu.memory_space<semaphore_mem>>)
      %dma_wait3A = arith.constant 0 : i32
      %dma_wait3A_42 = tpu.memref_slice %arg13[%mul3A_29, %dma_wait3A] : memref<10240x48xf32, #tpu.memory_space<vmem_shared>> -> memref<640x48xf32, #tpu.memory_space<vmem_shared>>
      tpu.wait_dma2 semaphore(%run_scoped3A : memref<!tpu.dma_semaphore, #tpu.memory_space<semaphore_mem>>) src(%arg5 : memref<640x48xf32, #tpu.memory_space<hbm>>) dst(%dma_wait3A_42 : memref<640x48xf32, #tpu.memory_space<vmem_shared>>)
      tpu.yield
    }) : () -> ()
    %barrier3A = arith.constant 0 : index
    tpu.barrier barrier_id(%barrier3A)
    %scan3A = arith.constant 0 : i32
    %scan3A_30 = arith.constant 0 : i32
    %scan3A_31 = arith.constant 20 : i32
    %scan3A_32 = arith.addi %scan3A_30, %scan3A_31 : i32
    %scan3A_33 = arith.constant 1 : i32
    scf.for %scan3A_40 = %scan3A_30 to %scan3A_32 step %scan3A_33  : i32 {
      %mul3A_41 = arith.constant 4 : i32
      %mul3A_42 = arith.muli %scan3A_40, %mul3A_41 : i32
      %add3A_43 = arith.constant 0 : i32
      %add3A_44 = arith.addi %mul3A_42, %add3A_43 : i32
      %dma_wait3A = arith.constant 0 : i32
      %dma_wait3A_45 = tpu.memref_slice %arg7[%add3A_44, %dma_wait3A] : memref<80x128xi32, #tpu.memory_space<vmem>> -> memref<1x128xi32, #tpu.memory_space<vmem>>
      %dma_wait3A_46 = tpu.memref_squeeze %dma_wait3A_45 : memref<1x128xi32, #tpu.memory_space<vmem>> -> memref<128xi32, #tpu.memory_space<vmem>>
      %dma_wait3A_47 = arith.constant 0 : i32
      %dma_wait3A_48 = arith.constant 0 : i32
      %dma_wait3A_49 = tpu.memref_slice %arg2[%dma_wait3A_47, %dma_wait3A_48] : memref<10240x48xf32, #tpu.memory_space<hbm>> -> memref<10240x48xf32, #tpu.memory_space<hbm>>
      tpu.wait_indirect_dma semaphore(%arg14 : memref<!tpu.dma_semaphore, #tpu.memory_space<semaphore_mem>>) src(%dma_wait3A_49 : memref<10240x48xf32, #tpu.memory_space<hbm>>) dst(%arg9 : memref<128x48xf32, #tpu.memory_space<vmem>>)
      %add3A_50 = arith.constant 0 : i32
      %add3A_51 = arith.addi %mul3A_42, %add3A_50 : i32
      %dma_start3A_52 = arith.constant 0 : i32
      %dma_start3A_53 = tpu.memref_slice %arg8[%add3A_51, %dma_start3A_52] : memref<80x128xi32, #tpu.memory_space<vmem>> -> memref<1x128xi32, #tpu.memory_space<vmem>>
      %dma_start3A_54 = tpu.memref_squeeze %dma_start3A_53 : memref<1x128xi32, #tpu.memory_space<vmem>> -> memref<128xi32, #tpu.memory_space<vmem>>
      %dma_start3A_55 = arith.constant 0 : i32
      %dma_start3A_56 = arith.constant 0 : i32
      %dma_start3A_57 = tpu.memref_slice %arg13[%dma_start3A_55, %dma_start3A_56] : memref<10240x48xf32, #tpu.memory_space<vmem_shared>> -> memref<10240x48xf32, #tpu.memory_space<vmem_shared>>
      tpu.enqueue_indirect_dma source(%arg9 : memref<128x48xf32, #tpu.memory_space<vmem>>) target(%dma_start3A_57 : memref<10240x48xf32, #tpu.memory_space<vmem_shared>>) offsets(%dma_start3A_54 : memref<128xi32, #tpu.memory_space<vmem>>) semaphore(%arg18 : memref<!tpu.dma_semaphore, #tpu.memory_space<semaphore_mem>>) {add = true}
      %add3A_58 = arith.constant 1 : i32
      %add3A_59 = arith.addi %mul3A_42, %add3A_58 : i32
      %dma_wait3A_60 = arith.constant 0 : i32
      %dma_wait3A_61 = tpu.memref_slice %arg7[%add3A_59, %dma_wait3A_60] : memref<80x128xi32, #tpu.memory_space<vmem>> -> memref<1x128xi32, #tpu.memory_space<vmem>>
      %dma_wait3A_62 = tpu.memref_squeeze %dma_wait3A_61 : memref<1x128xi32, #tpu.memory_space<vmem>> -> memref<128xi32, #tpu.memory_space<vmem>>
      %dma_wait3A_63 = arith.constant 0 : i32
      %dma_wait3A_64 = arith.constant 0 : i32
      %dma_wait3A_65 = tpu.memref_slice %arg2[%dma_wait3A_63, %dma_wait3A_64] : memref<10240x48xf32, #tpu.memory_space<hbm>> -> memref<10240x48xf32, #tpu.memory_space<hbm>>
      tpu.wait_indirect_dma semaphore(%arg15 : memref<!tpu.dma_semaphore, #tpu.memory_space<semaphore_mem>>) src(%dma_wait3A_65 : memref<10240x48xf32, #tpu.memory_space<hbm>>) dst(%arg10 : memref<128x48xf32, #tpu.memory_space<vmem>>)
      %add3A_66 = arith.constant 1 : i32
      %add3A_67 = arith.addi %mul3A_42, %add3A_66 : i32
      %dma_start3A_68 = arith.constant 0 : i32
      %dma_start3A_69 = tpu.memref_slice %arg8[%add3A_67, %dma_start3A_68] : memref<80x128xi32, #tpu.memory_space<vmem>> -> memref<1x128xi32, #tpu.memory_space<vmem>>
      %dma_start3A_70 = tpu.memref_squeeze %dma_start3A_69 : memref<1x128xi32, #tpu.memory_space<vmem>> -> memref<128xi32, #tpu.memory_space<vmem>>
      %dma_start3A_71 = arith.constant 0 : i32
      %dma_start3A_72 = arith.constant 0 : i32
      %dma_start3A_73 = tpu.memref_slice %arg13[%dma_start3A_71, %dma_start3A_72] : memref<10240x48xf32, #tpu.memory_space<vmem_shared>> -> memref<10240x48xf32, #tpu.memory_space<vmem_shared>>
      tpu.enqueue_indirect_dma source(%arg10 : memref<128x48xf32, #tpu.memory_space<vmem>>) target(%dma_start3A_73 : memref<10240x48xf32, #tpu.memory_space<vmem_shared>>) offsets(%dma_start3A_70 : memref<128xi32, #tpu.memory_space<vmem>>) semaphore(%arg19 : memref<!tpu.dma_semaphore, #tpu.memory_space<semaphore_mem>>) {add = true}
      %add3A_74 = arith.constant 2 : i32
      %add3A_75 = arith.addi %mul3A_42, %add3A_74 : i32
      %dma_wait3A_76 = arith.constant 0 : i32
      %dma_wait3A_77 = tpu.memref_slice %arg7[%add3A_75, %dma_wait3A_76] : memref<80x128xi32, #tpu.memory_space<vmem>> -> memref<1x128xi32, #tpu.memory_space<vmem>>
      %dma_wait3A_78 = tpu.memref_squeeze %dma_wait3A_77 : memref<1x128xi32, #tpu.memory_space<vmem>> -> memref<128xi32, #tpu.memory_space<vmem>>
      %dma_wait3A_79 = arith.constant 0 : i32
      %dma_wait3A_80 = arith.constant 0 : i32
      %dma_wait3A_81 = tpu.memref_slice %arg2[%dma_wait3A_79, %dma_wait3A_80] : memref<10240x48xf32, #tpu.memory_space<hbm>> -> memref<10240x48xf32, #tpu.memory_space<hbm>>
      tpu.wait_indirect_dma semaphore(%arg16 : memref<!tpu.dma_semaphore, #tpu.memory_space<semaphore_mem>>) src(%dma_wait3A_81 : memref<10240x48xf32, #tpu.memory_space<hbm>>) dst(%arg11 : memref<128x48xf32, #tpu.memory_space<vmem>>)
      %add3A_82 = arith.constant 2 : i32
      %add3A_83 = arith.addi %mul3A_42, %add3A_82 : i32
      %dma_start3A_84 = arith.constant 0 : i32
      %dma_start3A_85 = tpu.memref_slice %arg8[%add3A_83, %dma_start3A_84] : memref<80x128xi32, #tpu.memory_space<vmem>> -> memref<1x128xi32, #tpu.memory_space<vmem>>
      %dma_start3A_86 = tpu.memref_squeeze %dma_start3A_85 : memref<1x128xi32, #tpu.memory_space<vmem>> -> memref<128xi32, #tpu.memory_space<vmem>>
      %dma_start3A_87 = arith.constant 0 : i32
      %dma_start3A_88 = arith.constant 0 : i32
      %dma_start3A_89 = tpu.memref_slice %arg13[%dma_start3A_87, %dma_start3A_88] : memref<10240x48xf32, #tpu.memory_space<vmem_shared>> -> memref<10240x48xf32, #tpu.memory_space<vmem_shared>>
      tpu.enqueue_indirect_dma source(%arg11 : memref<128x48xf32, #tpu.memory_space<vmem>>) target(%dma_start3A_89 : memref<10240x48xf32, #tpu.memory_space<vmem_shared>>) offsets(%dma_start3A_86 : memref<128xi32, #tpu.memory_space<vmem>>) semaphore(%arg20 : memref<!tpu.dma_semaphore, #tpu.memory_space<semaphore_mem>>) {add = true}
      %add3A_90 = arith.constant 3 : i32
      %add3A_91 = arith.addi %mul3A_42, %add3A_90 : i32
      %dma_wait3A_92 = arith.constant 0 : i32
      %dma_wait3A_93 = tpu.memref_slice %arg7[%add3A_91, %dma_wait3A_92] : memref<80x128xi32, #tpu.memory_space<vmem>> -> memref<1x128xi32, #tpu.memory_space<vmem>>
      %dma_wait3A_94 = tpu.memref_squeeze %dma_wait3A_93 : memref<1x128xi32, #tpu.memory_space<vmem>> -> memref<128xi32, #tpu.memory_space<vmem>>
      %dma_wait3A_95 = arith.constant 0 : i32
      %dma_wait3A_96 = arith.constant 0 : i32
      %dma_wait3A_97 = tpu.memref_slice %arg2[%dma_wait3A_95, %dma_wait3A_96] : memref<10240x48xf32, #tpu.memory_space<hbm>> -> memref<10240x48xf32, #tpu.memory_space<hbm>>
      tpu.wait_indirect_dma semaphore(%arg17 : memref<!tpu.dma_semaphore, #tpu.memory_space<semaphore_mem>>) src(%dma_wait3A_97 : memref<10240x48xf32, #tpu.memory_space<hbm>>) dst(%arg12 : memref<128x48xf32, #tpu.memory_space<vmem>>)
      %add3A_98 = arith.constant 3 : i32
      %add3A_99 = arith.addi %mul3A_42, %add3A_98 : i32
      %dma_start3A_100 = arith.constant 0 : i32
      %dma_start3A_101 = tpu.memref_slice %arg8[%add3A_99, %dma_start3A_100] : memref<80x128xi32, #tpu.memory_space<vmem>> -> memref<1x128xi32, #tpu.memory_space<vmem>>
      %dma_start3A_102 = tpu.memref_squeeze %dma_start3A_101 : memref<1x128xi32, #tpu.memory_space<vmem>> -> memref<128xi32, #tpu.memory_space<vmem>>
      %dma_start3A_103 = arith.constant 0 : i32
      %dma_start3A_104 = arith.constant 0 : i32
      %dma_start3A_105 = tpu.memref_slice %arg13[%dma_start3A_103, %dma_start3A_104] : memref<10240x48xf32, #tpu.memory_space<vmem_shared>> -> memref<10240x48xf32, #tpu.memory_space<vmem_shared>>
      tpu.enqueue_indirect_dma source(%arg12 : memref<128x48xf32, #tpu.memory_space<vmem>>) target(%dma_start3A_105 : memref<10240x48xf32, #tpu.memory_space<vmem_shared>>) offsets(%dma_start3A_102 : memref<128xi32, #tpu.memory_space<vmem>>) semaphore(%arg21 : memref<!tpu.dma_semaphore, #tpu.memory_space<semaphore_mem>>) {add = true}
      %add3A_106 = arith.constant 0 : i32
      %add3A_107 = arith.addi %mul3A_42, %add3A_106 : i32
      %dma_wait3A_108 = arith.constant 0 : i32
      %dma_wait3A_109 = tpu.memref_slice %arg8[%add3A_107, %dma_wait3A_108] : memref<80x128xi32, #tpu.memory_space<vmem>> -> memref<1x128xi32, #tpu.memory_space<vmem>>
      %dma_wait3A_110 = tpu.memref_squeeze %dma_wait3A_109 : memref<1x128xi32, #tpu.memory_space<vmem>> -> memref<128xi32, #tpu.memory_space<vmem>>
      %dma_wait3A_111 = arith.constant 0 : i32
      %dma_wait3A_112 = arith.constant 0 : i32
      %dma_wait3A_113 = tpu.memref_slice %arg13[%dma_wait3A_111, %dma_wait3A_112] : memref<10240x48xf32, #tpu.memory_space<vmem_shared>> -> memref<10240x48xf32, #tpu.memory_space<vmem_shared>>
      tpu.wait_indirect_dma semaphore(%arg18 : memref<!tpu.dma_semaphore, #tpu.memory_space<semaphore_mem>>) src(%arg9 : memref<128x48xf32, #tpu.memory_space<vmem>>) dst(%dma_wait3A_113 : memref<10240x48xf32, #tpu.memory_space<vmem_shared>>)
      %add3A_114 = arith.constant 4 : i32
      %add3A_115 = arith.addi %mul3A_42, %add3A_114 : i32
      %add3A_116 = arith.constant 0 : i32
      %add3A_117 = arith.addi %add3A_115, %add3A_116 : i32
      %lt3A = arith.constant 80 : i32
      %lt3A_118 = arith.cmpi slt, %add3A_117, %lt3A : i32
      %convert_element_type3A = arith.extui %lt3A_118 : i1 to i32
      %cond3A = arith.constant 0 : i32
      %cond3A_119 = arith.cmpi ne, %convert_element_type3A, %cond3A : i32
      scf.if %cond3A_119 {
        %add3A_171 = arith.constant 4 : i32
        %add3A_172 = arith.addi %mul3A_42, %add3A_171 : i32
        %add3A_173 = arith.constant 0 : i32
        %add3A_174 = arith.addi %add3A_172, %add3A_173 : i32
        %dma_start3A_175 = arith.constant 0 : i32
        %dma_start3A_176 = tpu.memref_slice %arg7[%add3A_174, %dma_start3A_175] : memref<80x128xi32, #tpu.memory_space<vmem>> -> memref<1x128xi32, #tpu.memory_space<vmem>>
        %dma_start3A_177 = tpu.memref_squeeze %dma_start3A_176 : memref<1x128xi32, #tpu.memory_space<vmem>> -> memref<128xi32, #tpu.memory_space<vmem>>
        %dma_start3A_178 = arith.constant 0 : i32
        %dma_start3A_179 = arith.constant 0 : i32
        %dma_start3A_180 = tpu.memref_slice %arg2[%dma_start3A_178, %dma_start3A_179] : memref<10240x48xf32, #tpu.memory_space<hbm>> -> memref<10240x48xf32, #tpu.memory_space<hbm>>
        tpu.enqueue_indirect_dma source(%dma_start3A_180 : memref<10240x48xf32, #tpu.memory_space<hbm>>) target(%arg9 : memref<128x48xf32, #tpu.memory_space<vmem>>) offsets(%dma_start3A_177 : memref<128xi32, #tpu.memory_space<vmem>>) semaphore(%arg14 : memref<!tpu.dma_semaphore, #tpu.memory_space<semaphore_mem>>)
      } else {
      }
      %add3A_120 = arith.constant 1 : i32
      %add3A_121 = arith.addi %mul3A_42, %add3A_120 : i32
      %dma_wait3A_122 = arith.constant 0 : i32
      %dma_wait3A_123 = tpu.memref_slice %arg8[%add3A_121, %dma_wait3A_122] : memref<80x128xi32, #tpu.memory_space<vmem>> -> memref<1x128xi32, #tpu.memory_space<vmem>>
      %dma_wait3A_124 = tpu.memref_squeeze %dma_wait3A_123 : memref<1x128xi32, #tpu.memory_space<vmem>> -> memref<128xi32, #tpu.memory_space<vmem>>
      %dma_wait3A_125 = arith.constant 0 : i32
      %dma_wait3A_126 = arith.constant 0 : i32
      %dma_wait3A_127 = tpu.memref_slice %arg13[%dma_wait3A_125, %dma_wait3A_126] : memref<10240x48xf32, #tpu.memory_space<vmem_shared>> -> memref<10240x48xf32, #tpu.memory_space<vmem_shared>>
      tpu.wait_indirect_dma semaphore(%arg19 : memref<!tpu.dma_semaphore, #tpu.memory_space<semaphore_mem>>) src(%arg10 : memref<128x48xf32, #tpu.memory_space<vmem>>) dst(%dma_wait3A_127 : memref<10240x48xf32, #tpu.memory_space<vmem_shared>>)
      %add3A_128 = arith.constant 4 : i32
      %add3A_129 = arith.addi %mul3A_42, %add3A_128 : i32
      %add3A_130 = arith.constant 1 : i32
      %add3A_131 = arith.addi %add3A_129, %add3A_130 : i32
      %lt3A_132 = arith.constant 80 : i32
      %lt3A_133 = arith.cmpi slt, %add3A_131, %lt3A_132 : i32
      %convert_element_type3A_134 = arith.extui %lt3A_133 : i1 to i32
      %cond3A_135 = arith.constant 0 : i32
      %cond3A_136 = arith.cmpi ne, %convert_element_type3A_134, %cond3A_135 : i32
      scf.if %cond3A_136 {
        %add3A_171 = arith.constant 4 : i32
        %add3A_172 = arith.addi %mul3A_42, %add3A_171 : i32
        %add3A_173 = arith.constant 1 : i32
        %add3A_174 = arith.addi %add3A_172, %add3A_173 : i32
        %dma_start3A_175 = arith.constant 0 : i32
        %dma_start3A_176 = tpu.memref_slice %arg7[%add3A_174, %dma_start3A_175] : memref<80x128xi32, #tpu.memory_space<vmem>> -> memref<1x128xi32, #tpu.memory_space<vmem>>
        %dma_start3A_177 = tpu.memref_squeeze %dma_start3A_176 : memref<1x128xi32, #tpu.memory_space<vmem>> -> memref<128xi32, #tpu.memory_space<vmem>>
        %dma_start3A_178 = arith.constant 0 : i32
        %dma_start3A_179 = arith.constant 0 : i32
        %dma_start3A_180 = tpu.memref_slice %arg2[%dma_start3A_178, %dma_start3A_179] : memref<10240x48xf32, #tpu.memory_space<hbm>> -> memref<10240x48xf32, #tpu.memory_space<hbm>>
        tpu.enqueue_indirect_dma source(%dma_start3A_180 : memref<10240x48xf32, #tpu.memory_space<hbm>>) target(%arg10 : memref<128x48xf32, #tpu.memory_space<vmem>>) offsets(%dma_start3A_177 : memref<128xi32, #tpu.memory_space<vmem>>) semaphore(%arg15 : memref<!tpu.dma_semaphore, #tpu.memory_space<semaphore_mem>>)
      } else {
      }
      %add3A_137 = arith.constant 2 : i32
      %add3A_138 = arith.addi %mul3A_42, %add3A_137 : i32
      %dma_wait3A_139 = arith.constant 0 : i32
      %dma_wait3A_140 = tpu.memref_slice %arg8[%add3A_138, %dma_wait3A_139] : memref<80x128xi32, #tpu.memory_space<vmem>> -> memref<1x128xi32, #tpu.memory_space<vmem>>
      %dma_wait3A_141 = tpu.memref_squeeze %dma_wait3A_140 : memref<1x128xi32, #tpu.memory_space<vmem>> -> memref<128xi32, #tpu.memory_space<vmem>>
      %dma_wait3A_142 = arith.constant 0 : i32
      %dma_wait3A_143 = arith.constant 0 : i32
      %dma_wait3A_144 = tpu.memref_slice %arg13[%dma_wait3A_142, %dma_wait3A_143] : memref<10240x48xf32, #tpu.memory_space<vmem_shared>> -> memref<10240x48xf32, #tpu.memory_space<vmem_shared>>
      tpu.wait_indirect_dma semaphore(%arg20 : memref<!tpu.dma_semaphore, #tpu.memory_space<semaphore_mem>>) src(%arg11 : memref<128x48xf32, #tpu.memory_space<vmem>>) dst(%dma_wait3A_144 : memref<10240x48xf32, #tpu.memory_space<vmem_shared>>)
      %add3A_145 = arith.constant 4 : i32
      %add3A_146 = arith.addi %mul3A_42, %add3A_145 : i32
      %add3A_147 = arith.constant 2 : i32
      %add3A_148 = arith.addi %add3A_146, %add3A_147 : i32
      %lt3A_149 = arith.constant 80 : i32
      %lt3A_150 = arith.cmpi slt, %add3A_148, %lt3A_149 : i32
      %convert_element_type3A_151 = arith.extui %lt3A_150 : i1 to i32
      %cond3A_152 = arith.constant 0 : i32
      %cond3A_153 = arith.cmpi ne, %convert_element_type3A_151, %cond3A_152 : i32
      scf.if %cond3A_153 {
        %add3A_171 = arith.constant 4 : i32
        %add3A_172 = arith.addi %mul3A_42, %add3A_171 : i32
        %add3A_173 = arith.constant 2 : i32
        %add3A_174 = arith.addi %add3A_172, %add3A_173 : i32
        %dma_start3A_175 = arith.constant 0 : i32
        %dma_start3A_176 = tpu.memref_slice %arg7[%add3A_174, %dma_start3A_175] : memref<80x128xi32, #tpu.memory_space<vmem>> -> memref<1x128xi32, #tpu.memory_space<vmem>>
        %dma_start3A_177 = tpu.memref_squeeze %dma_start3A_176 : memref<1x128xi32, #tpu.memory_space<vmem>> -> memref<128xi32, #tpu.memory_space<vmem>>
        %dma_start3A_178 = arith.constant 0 : i32
        %dma_start3A_179 = arith.constant 0 : i32
        %dma_start3A_180 = tpu.memref_slice %arg2[%dma_start3A_178, %dma_start3A_179] : memref<10240x48xf32, #tpu.memory_space<hbm>> -> memref<10240x48xf32, #tpu.memory_space<hbm>>
        tpu.enqueue_indirect_dma source(%dma_start3A_180 : memref<10240x48xf32, #tpu.memory_space<hbm>>) target(%arg11 : memref<128x48xf32, #tpu.memory_space<vmem>>) offsets(%dma_start3A_177 : memref<128xi32, #tpu.memory_space<vmem>>) semaphore(%arg16 : memref<!tpu.dma_semaphore, #tpu.memory_space<semaphore_mem>>)
      } else {
      }
      %add3A_154 = arith.constant 3 : i32
      %add3A_155 = arith.addi %mul3A_42, %add3A_154 : i32
      %dma_wait3A_156 = arith.constant 0 : i32
      %dma_wait3A_157 = tpu.memref_slice %arg8[%add3A_155, %dma_wait3A_156] : memref<80x128xi32, #tpu.memory_space<vmem>> -> memref<1x128xi32, #tpu.memory_space<vmem>>
      %dma_wait3A_158 = tpu.memref_squeeze %dma_wait3A_157 : memref<1x128xi32, #tpu.memory_space<vmem>> -> memref<128xi32, #tpu.memory_space<vmem>>
      %dma_wait3A_159 = arith.constant 0 : i32
      %dma_wait3A_160 = arith.constant 0 : i32
      %dma_wait3A_161 = tpu.memref_slice %arg13[%dma_wait3A_159, %dma_wait3A_160] : memref<10240x48xf32, #tpu.memory_space<vmem_shared>> -> memref<10240x48xf32, #tpu.memory_space<vmem_shared>>
      tpu.wait_indirect_dma semaphore(%arg21 : memref<!tpu.dma_semaphore, #tpu.memory_space<semaphore_mem>>) src(%arg12 : memref<128x48xf32, #tpu.memory_space<vmem>>) dst(%dma_wait3A_161 : memref<10240x48xf32, #tpu.memory_space<vmem_shared>>)
      %add3A_162 = arith.constant 4 : i32
      %add3A_163 = arith.addi %mul3A_42, %add3A_162 : i32
      %add3A_164 = arith.constant 3 : i32
      %add3A_165 = arith.addi %add3A_163, %add3A_164 : i32
      %lt3A_166 = arith.constant 80 : i32
      %lt3A_167 = arith.cmpi slt, %add3A_165, %lt3A_166 : i32
      %convert_element_type3A_168 = arith.extui %lt3A_167 : i1 to i32
      %cond3A_169 = arith.constant 0 : i32
      %cond3A_170 = arith.cmpi ne, %convert_element_type3A_168, %cond3A_169 : i32
      scf.if %cond3A_170 {
        %add3A_171 = arith.constant 4 : i32
        %add3A_172 = arith.addi %mul3A_42, %add3A_171 : i32
        %add3A_173 = arith.constant 3 : i32
        %add3A_174 = arith.addi %add3A_172, %add3A_173 : i32
        %dma_start3A_175 = arith.constant 0 : i32
        %dma_start3A_176 = tpu.memref_slice %arg7[%add3A_174, %dma_start3A_175] : memref<80x128xi32, #tpu.memory_space<vmem>> -> memref<1x128xi32, #tpu.memory_space<vmem>>
        %dma_start3A_177 = tpu.memref_squeeze %dma_start3A_176 : memref<1x128xi32, #tpu.memory_space<vmem>> -> memref<128xi32, #tpu.memory_space<vmem>>
        %dma_start3A_178 = arith.constant 0 : i32
        %dma_start3A_179 = arith.constant 0 : i32
        %dma_start3A_180 = tpu.memref_slice %arg2[%dma_start3A_178, %dma_start3A_179] : memref<10240x48xf32, #tpu.memory_space<hbm>> -> memref<10240x48xf32, #tpu.memory_space<hbm>>
        tpu.enqueue_indirect_dma source(%dma_start3A_180 : memref<10240x48xf32, #tpu.memory_space<hbm>>) target(%arg12 : memref<128x48xf32, #tpu.memory_space<vmem>>) offsets(%dma_start3A_177 : memref<128xi32, #tpu.memory_space<vmem>>) semaphore(%arg17 : memref<!tpu.dma_semaphore, #tpu.memory_space<semaphore_mem>>)
      } else {
      }
    }
    %scan3A_34 = arith.constant 20 : i32
    %barrier3A_35 = arith.constant 0 : index
    tpu.barrier barrier_id(%barrier3A_35)
    %mul3A_36 = arith.constant 640 : i32
    %mul3A_37 = arith.muli %arg1, %mul3A_36 : i32
    %mul3A_38 = arith.constant 640 : i32
    %mul3A_39 = arith.muli %arg1, %mul3A_38 : i32
    "tpu.region"() ({
      %run_scoped3A = tpu.sem_alloc : memref<!tpu.dma_semaphore, #tpu.memory_space<semaphore_mem>>
      %dma_start3A_40 = arith.constant 0 : i32
      %dma_start3A_41 = tpu.memref_slice %arg6[%arg0, %mul3A_39, %dma_start3A_40] : memref<2x10240x48xf32, #tpu.memory_space<hbm>> -> memref<1x640x48xf32, #tpu.memory_space<hbm>>
      %dma_start3A_42 = tpu.memref_squeeze %dma_start3A_41 : memref<1x640x48xf32, #tpu.memory_space<hbm>> -> memref<640x48xf32, #tpu.memory_space<hbm>>
      %dma_start3A_43 = arith.constant 0 : i32
      %dma_start3A_44 = tpu.memref_slice %arg13[%mul3A_37, %dma_start3A_43] : memref<10240x48xf32, #tpu.memory_space<vmem_shared>> -> memref<640x48xf32, #tpu.memory_space<vmem_shared>>
      tpu.enqueue_dma source(%dma_start3A_44 : memref<640x48xf32, #tpu.memory_space<vmem_shared>>) target(%dma_start3A_42 : memref<640x48xf32, #tpu.memory_space<hbm>>) target_semaphore(%run_scoped3A : memref<!tpu.dma_semaphore, #tpu.memory_space<semaphore_mem>>)
      %dma_wait3A = arith.constant 0 : i32
      %dma_wait3A_45 = tpu.memref_slice %arg6[%arg0, %mul3A_39, %dma_wait3A] : memref<2x10240x48xf32, #tpu.memory_space<hbm>> -> memref<1x640x48xf32, #tpu.memory_space<hbm>>
      %dma_wait3A_46 = tpu.memref_squeeze %dma_wait3A_45 : memref<1x640x48xf32, #tpu.memory_space<hbm>> -> memref<640x48xf32, #tpu.memory_space<hbm>>
      %dma_wait3A_47 = arith.constant 0 : i32
      %dma_wait3A_48 = tpu.memref_slice %arg13[%mul3A_37, %dma_wait3A_47] : memref<10240x48xf32, #tpu.memory_space<vmem_shared>> -> memref<640x48xf32, #tpu.memory_space<vmem_shared>>
      tpu.wait_dma2 semaphore(%run_scoped3A : memref<!tpu.dma_semaphore, #tpu.memory_space<semaphore_mem>>) src(%dma_wait3A_48 : memref<640x48xf32, #tpu.memory_space<vmem_shared>>) dst(%dma_wait3A_46 : memref<640x48xf32, #tpu.memory_space<hbm>>)
      tpu.yield
    }) : () -> ()
    return
  }
}

module attributes {stable_mosaic.version = 14 : i64} {
  func.func @_prologue_body(%arg0: i32, %arg1: memref<2x1024xf32, #tpu.memory_space<vmem>>, %arg2: memref<1024x128xf32, #tpu.memory_space<vmem>>, %arg3: memref<128x128xf32, #tpu.memory_space<vmem>>, %arg4: memref<1024x1xf32, #tpu.memory_space<vmem>>, %arg5: memref<2x1024x64xf32, #tpu.memory_space<vmem>>) attributes {dimension_semantics = [#tpu.dimension_semantics<arbitrary>], iteration_bounds = array<i64: 10>, scalar_prefetch = 0 : i64, scratch_operands = 0 : i64, tpu.core_type = #tpu.core_type<tc>, window_params = [{transform_indices = @transform_0, window_bounds = array<i64: 2, 1024>}, {transform_indices = @transform_1, window_bounds = array<i64: 1024, 128>}, {pipeline_mode = #tpu.pipeline_mode<synchronous>, transform_indices = @transform_2, window_bounds = array<i64: 128, 128>}, {transform_indices = @transform_3, window_bounds = array<i64: 1024, 1>}, {transform_indices = @transform_4, window_bounds = array<i64: 2, 1024, 64>}]} {
    %get3A = arith.constant 0 : index
    %get3A_0 = arith.constant 0 : index
    %get3A_1 = vector.load %arg1[%get3A, %get3A_0] : memref<2x1024xf32, #tpu.memory_space<vmem>>, vector<1x1024xf32>
    %get3A_2 = vector.shape_cast %get3A_1 : vector<1x1024xf32> to vector<1024xf32>
    %get3A_3 = arith.constant 1 : index
    %get3A_4 = arith.constant 0 : index
    %get3A_5 = vector.load %arg1[%get3A_3, %get3A_4] : memref<2x1024xf32, #tpu.memory_space<vmem>>, vector<1x1024xf32>
    %get3A_6 = vector.shape_cast %get3A_5 : vector<1x1024xf32> to vector<1024xf32>
    %add3A = arith.addf %get3A_2, %get3A_6 : vector<1024xf32>
    %add3A_7 = arith.constant 1.000000e+00 : f32
    %add3A_8 = vector.broadcast %add3A_7 : f32 to vector<1024xf32>
    %add3A_9 = arith.addf %add3A, %add3A_8 : vector<1024xf32>
    %rsqrt3A = math.rsqrt %add3A_9 : vector<1024xf32>
    %broadcast_in_dim3A = vector.shape_cast %rsqrt3A : vector<1024xf32> to vector<1024x1xf32>
    %swap3A = arith.constant 0 : index
    %swap3A_10 = arith.constant 0 : index
    %swap3A_11 = vector.load %arg4[%swap3A, %swap3A_10] : memref<1024x1xf32, #tpu.memory_space<vmem>>, vector<1024x1xf32>
    tpu.vector_store %arg4[%swap3A, %swap3A_10], %broadcast_in_dim3A {strides = array<i32>} : memref<1024x1xf32, #tpu.memory_space<vmem>>, vector<1024x1xf32>,
    %get3A_12 = arith.constant 0 : index
    %get3A_13 = arith.constant 0 : index
    %get3A_14 = vector.load %arg2[%get3A_12, %get3A_13] : memref<1024x128xf32, #tpu.memory_space<vmem>>, vector<1024x128xf32>
    %get3A_15 = arith.constant 0 : index
    %get3A_16 = arith.constant 0 : index
    %get3A_17 = vector.load %arg3[%get3A_15, %get3A_16] : memref<128x128xf32, #tpu.memory_space<vmem>>, vector<128x128xf32>
    %dot_general3A = arith.constant dense<0.000000e+00> : vector<1024x128xf32>
    %dot_general3A_18 = tpu.matmul %get3A_14, %get3A_17, %dot_general3A {dimension_numbers = #tpu.dot_dimension_numbers<[1], [0], [0], [1], [0, 0, 1, 1], [], []>, transpose_lhs_hint = false} : vector<1024x128xf32>, vector<128x128xf32>, vector<1024x128xf32> -> vector<1024x128xf32>
    %mul3A = vector.broadcast %broadcast_in_dim3A : vector<1024x1xf32> to vector<1024x128xf32>
    %mul3A_19 = arith.mulf %dot_general3A_18, %mul3A : vector<1024x128xf32>
    %slice3A = vector.extract_strided_slice %mul3A_19 {offsets = [0, 0], sizes = [1024, 64], strides = [1, 1]} : vector<1024x128xf32> to vector<1024x64xf32>
    %slice3A_20 = vector.extract_strided_slice %mul3A_19 {offsets = [0, 64], sizes = [1024, 64], strides = [1, 1]} : vector<1024x128xf32> to vector<1024x64xf32>
    %stack3A = vector.shape_cast %slice3A : vector<1024x64xf32> to vector<1x1024x64xf32>
    %stack3A_21 = vector.shape_cast %slice3A_20 : vector<1024x64xf32> to vector<1x1024x64xf32>
    %stack3A_22 = tpu.concatenate %stack3A, %stack3A_21 in 0 : vector<1x1024x64xf32>, vector<1x1024x64xf32> -> vector<2x1024x64xf32>
    %swap3A_23 = arith.constant 0 : index
    %swap3A_24 = arith.constant 0 : index
    %swap3A_25 = arith.constant 0 : index
    %swap3A_26 = vector.load %arg5[%swap3A_23, %swap3A_24, %swap3A_25] : memref<2x1024x64xf32, #tpu.memory_space<vmem>>, vector<2x1024x64xf32>
    tpu.vector_store %arg5[%swap3A_23, %swap3A_24, %swap3A_25], %stack3A_22 {strides = array<i32>} : memref<2x1024x64xf32, #tpu.memory_space<vmem>>, vector<2x1024x64xf32>,
    return
  }
  func.func @transform_0(%arg0: i32) -> (i32, i32) {
    %c0_i32 = arith.constant 0 : i32
    %c0_i32_0 = arith.constant 0 : i32
    return %c0_i32, %arg0 : i32, i32
  }
  func.func @transform_1(%arg0: i32) -> (i32, i32) {
    %c0_i32 = arith.constant 0 : i32
    %c0_i32_0 = arith.constant 0 : i32
    return %arg0, %c0_i32 : i32, i32
  }
  func.func @transform_2(%arg0: i32) -> (i32, i32) {
    %c0_i32 = arith.constant 0 : i32
    %c0_i32_0 = arith.constant 0 : i32
    %c0_i32_1 = arith.constant 0 : i32
    return %c0_i32, %c0_i32_0 : i32, i32
  }
  func.func @transform_3(%arg0: i32) -> (i32, i32) {
    %c0_i32 = arith.constant 0 : i32
    %c0_i32_0 = arith.constant 0 : i32
    return %arg0, %c0_i32 : i32, i32
  }
  func.func @transform_4(%arg0: i32) -> (i32, i32, i32) {
    %c0_i32 = arith.constant 0 : i32
    %c0_i32_0 = arith.constant 0 : i32
    %c0_i32_1 = arith.constant 0 : i32
    return %c0_i32, %arg0, %c0_i32_0 : i32, i32, i32
  }
}

module attributes {stable_mosaic.version = 14 : i64} {
  func.func @_mid_body(%arg0: i32, %arg1: memref<1024x128xf32, #tpu.memory_space<vmem>>, %arg2: memref<2x1024x64xf32, #tpu.memory_space<vmem>>, %arg3: memref<1024x1xf32, #tpu.memory_space<vmem>>, %arg4: memref<1x128xf32, #tpu.memory_space<vmem>>, %arg5: memref<128x48xf32, #tpu.memory_space<vmem>>, %arg6: memref<1024x48xf32, #tpu.memory_space<vmem>>) attributes {dimension_semantics = [#tpu.dimension_semantics<arbitrary>], iteration_bounds = array<i64: 10>, scalar_prefetch = 0 : i64, scratch_operands = 0 : i64, tpu.core_type = #tpu.core_type<tc>, window_params = [{transform_indices = @transform_0, window_bounds = array<i64: 1024, 128>}, {transform_indices = @transform_1, window_bounds = array<i64: 2, 1024, 64>}, {transform_indices = @transform_2, window_bounds = array<i64: 1024, 1>}, {pipeline_mode = #tpu.pipeline_mode<synchronous>, transform_indices = @transform_3, window_bounds = array<i64: 1, 128>}, {pipeline_mode = #tpu.pipeline_mode<synchronous>, transform_indices = @transform_4, window_bounds = array<i64: 128, 48>}, {transform_indices = @transform_5, window_bounds = array<i64: 1024, 48>}]} {
    %get3A = arith.constant 0 : index
    %get3A_0 = arith.constant 0 : index
    %get3A_1 = vector.load %arg3[%get3A, %get3A_0] : memref<1024x1xf32, #tpu.memory_space<vmem>>, vector<1024x1xf32>
    %get3A_2 = arith.constant 0 : index
    %get3A_3 = arith.constant 0 : index
    %get3A_4 = arith.constant 0 : index
    %get3A_5 = vector.load %arg2[%get3A_2, %get3A_3, %get3A_4] : memref<2x1024x64xf32, #tpu.memory_space<vmem>>, vector<1x1024x64xf32>
    %get3A_6 = vector.shape_cast %get3A_5 : vector<1x1024x64xf32> to vector<1024x64xf32>
    %get3A_7 = arith.constant 1 : index
    %get3A_8 = arith.constant 0 : index
    %get3A_9 = arith.constant 0 : index
    %get3A_10 = vector.load %arg2[%get3A_7, %get3A_8, %get3A_9] : memref<2x1024x64xf32, #tpu.memory_space<vmem>>, vector<1x1024x64xf32>
    %get3A_11 = vector.shape_cast %get3A_10 : vector<1x1024x64xf32> to vector<1024x64xf32>
    %concatenate3A = tpu.concatenate %get3A_6, %get3A_11 in 1 : vector<1024x64xf32>, vector<1024x64xf32> -> vector<1024x128xf32>
    %get3A_12 = arith.constant 0 : index
    %get3A_13 = arith.constant 0 : index
    %get3A_14 = vector.load %arg1[%get3A_12, %get3A_13] : memref<1024x128xf32, #tpu.memory_space<vmem>>, vector<1024x128xf32>
    %add3A = arith.addf %get3A_14, %concatenate3A : vector<1024x128xf32>
    %mul3A = vector.broadcast %get3A_1 : vector<1024x1xf32> to vector<1024x128xf32>
    %mul3A_15 = arith.mulf %mul3A, %add3A : vector<1024x128xf32>
    %get3A_16 = arith.constant 0 : index
    %get3A_17 = arith.constant 0 : index
    %get3A_18 = vector.load %arg4[%get3A_16, %get3A_17] : memref<1x128xf32, #tpu.memory_space<vmem>>, vector<1x128xf32>
    %add3A_19 = vector.broadcast %get3A_18 : vector<1x128xf32> to vector<1024x128xf32>
    %add3A_20 = arith.addf %mul3A_15, %add3A_19 : vector<1024x128xf32>
    %max3A = arith.constant 0.000000e+00 : f32
    %max3A_21 = vector.broadcast %max3A : f32 to vector<1024x128xf32>
    %max3A_22 = arith.maximumf %add3A_20, %max3A_21 : vector<1024x128xf32>
    %mul3A_23 = arith.constant 1024 : i32
    %mul3A_24 = arith.muli %arg0, %mul3A_23 : i32
    %iota3A = tpu.iota {dimensions = array<i32: 0>} : vector<1024x1xi32>
    %add3A_25 = vector.broadcast %mul3A_24 : i32 to vector<1024x1xi32>
    %add3A_26 = arith.addi %add3A_25, %iota3A : vector<1024x1xi32>
    %lt3A = arith.constant 10000 : i32
    %lt3A_27 = vector.broadcast %lt3A : i32 to vector<1024x1xi32>
    %lt3A_28 = arith.cmpi slt, %add3A_26, %lt3A_27 : vector<1024x1xi32>
    %jit3A = arith.constant 0.000000e+00 : f32
    %broadcast_in_dim3A = vector.shape_cast %lt3A_28 : vector<1024x1xi1> to vector<1024x1xi1>
    %broadcast_in_dim3A_29 = vector.broadcast %broadcast_in_dim3A : vector<1024x1xi1> to vector<1024x128xi1>
    %broadcast_in_dim3A_30 = vector.broadcast %jit3A : f32 to vector<1024x128xf32>
    %select_n3A = arith.select %broadcast_in_dim3A_29, %max3A_22, %broadcast_in_dim3A_30 : vector<1024x128xi1>, vector<1024x128xf32>
    %get3A_31 = arith.constant 0 : index
    %get3A_32 = arith.constant 0 : index
    %get3A_33 = vector.load %arg5[%get3A_31, %get3A_32] : memref<128x48xf32, #tpu.memory_space<vmem>>, vector<128x48xf32>
    %dot_general3A = arith.constant dense<0.000000e+00> : vector<1024x48xf32>
    %dot_general3A_34 = tpu.matmul %select_n3A, %get3A_33, %dot_general3A {dimension_numbers = #tpu.dot_dimension_numbers<[1], [0], [0], [1], [0, 0, 1, 1], [], []>, transpose_lhs_hint = false} : vector<1024x128xf32>, vector<128x48xf32>, vector<1024x48xf32> -> vector<1024x48xf32>
    %mul3A_35 = vector.broadcast %get3A_1 : vector<1024x1xf32> to vector<1024x48xf32>
    %mul3A_36 = arith.mulf %dot_general3A_34, %mul3A_35 : vector<1024x48xf32>
    %swap3A = arith.constant 0 : index
    %swap3A_37 = arith.constant 0 : index
    %swap3A_38 = vector.load %arg6[%swap3A, %swap3A_37] : memref<1024x48xf32, #tpu.memory_space<vmem>>, vector<1024x48xf32>
    tpu.vector_store %arg6[%swap3A, %swap3A_37], %mul3A_36 {strides = array<i32>} : memref<1024x48xf32, #tpu.memory_space<vmem>>, vector<1024x48xf32>,
    return
  }
  func.func @transform_0(%arg0: i32) -> (i32, i32) {
    %c0_i32 = arith.constant 0 : i32
    %c0_i32_0 = arith.constant 0 : i32
    return %arg0, %c0_i32 : i32, i32
  }
  func.func @transform_1(%arg0: i32) -> (i32, i32, i32) {
    %c0_i32 = arith.constant 0 : i32
    %c0_i32_0 = arith.constant 0 : i32
    %c0_i32_1 = arith.constant 0 : i32
    return %c0_i32, %arg0, %c0_i32_0 : i32, i32, i32
  }
  func.func @transform_2(%arg0: i32) -> (i32, i32) {
    %c0_i32 = arith.constant 0 : i32
    %c0_i32_0 = arith.constant 0 : i32
    return %arg0, %c0_i32 : i32, i32
  }
  func.func @transform_3(%arg0: i32) -> (i32, i32) {
    %c0_i32 = arith.constant 0 : i32
    %c0_i32_0 = arith.constant 0 : i32
    %c0_i32_1 = arith.constant 0 : i32
    return %c0_i32, %c0_i32_0 : i32, i32
  }
  func.func @transform_4(%arg0: i32) -> (i32, i32) {
    %c0_i32 = arith.constant 0 : i32
    %c0_i32_0 = arith.constant 0 : i32
    %c0_i32_1 = arith.constant 0 : i32
    return %c0_i32, %c0_i32_0 : i32, i32
  }
  func.func @transform_5(%arg0: i32) -> (i32, i32) {
    %c0_i32 = arith.constant 0 : i32
    %c0_i32_0 = arith.constant 0 : i32
    return %arg0, %c0_i32 : i32, i32
  }
}

module attributes {stable_mosaic.version = 14 : i64} {
  func.func @_epilogue_body(%arg0: i32, %arg1: memref<2x1024x48xf32, #tpu.memory_space<vmem>>, %arg2: memref<1024x48xf32, #tpu.memory_space<vmem>>, %arg3: memref<1024x1xf32, #tpu.memory_space<vmem>>, %arg4: memref<1x40xf32, #tpu.memory_space<vmem>>, %arg5: memref<1024x40xf32, #tpu.memory_space<vmem>>) attributes {dimension_semantics = [#tpu.dimension_semantics<arbitrary>], iteration_bounds = array<i64: 10>, scalar_prefetch = 0 : i64, scratch_operands = 0 : i64, tpu.core_type = #tpu.core_type<tc>, window_params = [{transform_indices = @transform_0, window_bounds = array<i64: 2, 1024, 48>}, {transform_indices = @transform_1, window_bounds = array<i64: 1024, 48>}, {transform_indices = @transform_2, window_bounds = array<i64: 1024, 1>}, {pipeline_mode = #tpu.pipeline_mode<synchronous>, transform_indices = @transform_3, window_bounds = array<i64: 1, 40>}, {transform_indices = @transform_4, window_bounds = array<i64: 1024, 40>}]} {
    %get3A = arith.constant 0 : index
    %get3A_0 = arith.constant 0 : index
    %get3A_1 = vector.load %arg3[%get3A, %get3A_0] : memref<1024x1xf32, #tpu.memory_space<vmem>>, vector<1024x1xf32>
    %get3A_2 = arith.constant 0 : index
    %get3A_3 = arith.constant 0 : index
    %get3A_4 = arith.constant 0 : index
    %get3A_5 = vector.load %arg1[%get3A_2, %get3A_3, %get3A_4] : memref<2x1024x48xf32, #tpu.memory_space<vmem>>, vector<1x1024x48xf32>
    %get3A_6 = vector.shape_cast %get3A_5 : vector<1x1024x48xf32> to vector<1024x48xf32>
    %get3A_7 = arith.constant 1 : index
    %get3A_8 = arith.constant 0 : index
    %get3A_9 = arith.constant 0 : index
    %get3A_10 = vector.load %arg1[%get3A_7, %get3A_8, %get3A_9] : memref<2x1024x48xf32, #tpu.memory_space<vmem>>, vector<1x1024x48xf32>
    %get3A_11 = vector.shape_cast %get3A_10 : vector<1x1024x48xf32> to vector<1024x48xf32>
    %add3A = arith.addf %get3A_6, %get3A_11 : vector<1024x48xf32>
    %get3A_12 = arith.constant 0 : index
    %get3A_13 = arith.constant 0 : index
    %get3A_14 = vector.load %arg2[%get3A_12, %get3A_13] : memref<1024x48xf32, #tpu.memory_space<vmem>>, vector<1024x48xf32>
    %add3A_15 = arith.addf %add3A, %get3A_14 : vector<1024x48xf32>
    %mul3A = vector.broadcast %get3A_1 : vector<1024x1xf32> to vector<1024x48xf32>
    %mul3A_16 = arith.mulf %mul3A, %add3A_15 : vector<1024x48xf32>
    %slice3A = vector.extract_strided_slice %mul3A_16 {offsets = [0, 0], sizes = [1024, 40], strides = [1, 1]} : vector<1024x48xf32> to vector<1024x40xf32>
    %get3A_17 = arith.constant 0 : index
    %get3A_18 = arith.constant 0 : index
    %get3A_19 = vector.load %arg4[%get3A_17, %get3A_18] : memref<1x40xf32, #tpu.memory_space<vmem>>, vector<1x40xf32>
    %add3A_20 = vector.broadcast %get3A_19 : vector<1x40xf32> to vector<1024x40xf32>
    %add3A_21 = arith.addf %slice3A, %add3A_20 : vector<1024x40xf32>
    %swap3A = arith.constant 0 : index
    %swap3A_22 = arith.constant 0 : index
    %swap3A_23 = vector.load %arg5[%swap3A, %swap3A_22] : memref<1024x40xf32, #tpu.memory_space<vmem>>, vector<1024x40xf32>
    tpu.vector_store %arg5[%swap3A, %swap3A_22], %add3A_21 {strides = array<i32>} : memref<1024x40xf32, #tpu.memory_space<vmem>>, vector<1024x40xf32>,
    return
  }
  func.func @transform_0(%arg0: i32) -> (i32, i32, i32) {
    %c0_i32 = arith.constant 0 : i32
    %c0_i32_0 = arith.constant 0 : i32
    %c0_i32_1 = arith.constant 0 : i32
    return %c0_i32, %arg0, %c0_i32_0 : i32, i32, i32
  }
  func.func @transform_1(%arg0: i32) -> (i32, i32) {
    %c0_i32 = arith.constant 0 : i32
    %c0_i32_0 = arith.constant 0 : i32
    return %arg0, %c0_i32 : i32, i32
  }
  func.func @transform_2(%arg0: i32) -> (i32, i32) {
    %c0_i32 = arith.constant 0 : i32
    %c0_i32_0 = arith.constant 0 : i32
    return %arg0, %c0_i32 : i32, i32
  }
  func.func @transform_3(%arg0: i32) -> (i32, i32) {
    %c0_i32 = arith.constant 0 : i32
    %c0_i32_0 = arith.constant 0 : i32
    %c0_i32_1 = arith.constant 0 : i32
    return %c0_i32, %c0_i32_0 : i32, i32
  }
  func.func @transform_4(%arg0: i32) -> (i32, i32) {
    %c0_i32 = arith.constant 0 : i32
    %c0_i32_0 = arith.constant 0 : i32
    return %arg0, %c0_i32 : i32, i32
  }
}

</mosaic_0001>

<sc_bundles>
// kernel: kernel.11.cloned.1.call-start
scs
__scs_entry_jumppad:
0x0: {  	(pc) =	sbr.rel $0x88, $3  }
0x1: {  	(tag) =	ssettag $0x0;
	lr =	simm.s32 $0x1  }
0x2: {  	[smem:$0x3F9B] =	sst lr;
	_ =	strace $0xD0000000  }
0x3: {  	_ = 	snop  }
0x4: {  	_ = 	snop  }
0x5: {  	_ = 	snop  }
0x6: {  	_ = 	snop  }
0x7: {  	_ = 	snop  }
__scs_overlays_trampoline_lowered:
0x8: {  	[smem:$0x3FAA] =	sst s0  }
0x9: {  	[smem:$0x3FAB] =	sst s1  }
0xa: {  	[smem:$0x3FAC] =	sst s2  }
0xb: {  	[smem:$0x3FAD] =	sst s3  }
0xc: {  	[smem:$0x3FAE] =	sst s4  }
0xd: {  	[smem:$0x3FAF] =	sst s5  }
0xe: {  	[smem:$0x3FB0] =	sst s6  }
0xf: {  	[smem:$0x3FB1] =	sst s7  }
0x10: {  	[smem:$0x3FB2] =	sst s8  }
0x11: {  	[smem:$0x3FB3] =	sst s9;
	s0 =	simm.s32 @!p0 $0x0  }
0x12: {  	s1 =	sld [smem:$0x3F99];
	s0 =	simm.s32 @p0 $0x1  }
0x13: {  	[smem:$0x3FB4] =	sst s0;
	s0 =	simm.s32 @!p1 $0x0  }
0x14: {  	s2 =	sld [smem:$0x3F98];
	s0 =	simm.s32 @p1 $0x1  }
0x15: {  	[smem:$0x3FB5] =	sst s0;
	s0 =	simm.s32 @!p2 $0x0  }
0x16: {  	s3 =	sld [smem:$0x3FDB];
	s0 =	simm.s32 @p2 $0x1  }
0x17: {  	s4 =	simm.s32 $0x1BF5;
	[smem:$0x3FB7] =	sst s0  }
0x18: {  	s0 =	sld [smem:$0x3F9A];
	_ =	swait.ge [sflag:s4], $0x0  }
0x19: {  	s7 =	sld [smem:$0x3F9B]  }
0x1a: {  	s8 =	sadd.s32 $0xFFFFE003, lr  }
0x1b: {  	s9 =	sadd.s32 $0xFFFFFEF7, lr;
	s5 =	simm.s32 $0xFFFFFFFF;
	p2 =	slt.u32 s8, $0xFFFFF086  }
0x1c: {  	p1 =	slt.u32 s9, $0xF7A;
	s5 =	simm.s32 @!p2 $0x0  }
0x1d: {  	s5 =	simm.s32 @p1 $0x1;
	p0 =	seq.s32 s7, s2  }
0x1e: {  	s7 =	smul.u32 @!p0 $0xF7A, s2;
	p2 =	seq.s32 @!p0 s5, $0x0  }
0x1f: {  	s9 =	smul.u32 $0xF7A, s1;
	s8 =	simm.s32 @!p0 $0x1BF5;
	p2 =	por !p2, p0  }
0x20: {  	[sflag:s8] =	ssyncset.s32 @!p0 $0xFFFFF086;
	s6 =	sadd.s32 @!p0 s3, s7;
	s7 =	simm.s32 @!p0 $0x108  }
0x21: {  	s3 =	sadd.s32 s3, s9;
	s6 =	sadd.s32 @!p0 $0x88, s6;
	s7 =	simm.s32 @p2 $0x1082  }
0x22: {  	[simem:s7], [sflag:s8] =	dma.local @!p0 [hbm:s6], $0xF7A  }
0x23: {  	s9 =	sor.u32 $0xD0000000, s2;
	s6 =	simm.s32 $0x108;
	_ =	swait.ge @!p0 [sflag:s8], $0x0  }
0x24: {  	s3 =	sadd.s32 $0x88, s3;
	s6 =	simm.s32 @!p1 $0x1082;
	[sflag:s4] =	ssyncset.s32 $0xFFFFF086  }
0x25: {  	[simem:s6], [sflag:s4] =	dma.local [hbm:s3], $0xF7A  }
0x26: {  	[smem:$0x3F9B] =	sst s1;
	(tag) =	ssettag s2;
	_ =	strace s9  }
0x27: {  	s1 =	sld [smem:$0x3FAB]  }
0x28: {  	s2 =	sld [smem:$0x3FAC]  }
0x29: {  	s4 =	sld [smem:$0x3FAE]  }
0x2a: {  	p0 =	seq.s32 s5, $0x0;
	s5 =	sld [smem:$0x3FAF]  }
0x2b: {  	s6 =	sld [smem:$0x3FB0]  }
0x2c: {  	s7 =	sld [smem:$0x3FB1]  }
0x2d: {  	s3 =	simm.s32 $0x108;
	s8 =	sld [smem:$0x3FB2]  }
0x2e: {  	s3 =	simm.s32 @!p0 $0x1082;
	s9 =	sld [smem:$0x3FB3]  }
0x2f: {  	lr =	sadd.s32 s0, s3;
	s0 =	sld [smem:$0x3FAA]  }
0x30: {  	s3 =	sld [smem:$0x3FAD]  }
0x31: {  	[smem:$0x3FB6] =	sst s10  }
0x32: {  	s10 =	sld [smem:$0x3FB4];
	_ =	sdelay $0x3  }
0x33: {  	p0 =	seq.s32 s10, $0x1;
	s10 =	sld [smem:$0x3FB6];
	_ =	sdelay $0x3  }
0x34: {  	[smem:$0x3FB6] =	sst s10  }
0x35: {  	s10 =	sld [smem:$0x3FB5];
	_ =	sdelay $0x3  }
0x36: {  	p1 =	seq.s32 s10, $0x1;
	s10 =	sld [smem:$0x3FB6];
	_ =	sdelay $0x3  }
0x37: {  	[smem:$0x3FB6] =	sst s10  }
0x38: {  	s10 =	sld [smem:$0x3FB7]  }
0x39: {  	_ = 	snop;
	(pc) =	sbr.ind lr, $3  }
0x3a: {  	_ = 	snop  }
0x3b: {  	_ = 	snop  }
0x3c: {  	p2 =	seq.s32 s10, $0x1;
	s10 =	sld [smem:$0x3FB6]  }
0x3d: {  	_ =	shalt  }
0x3e: {  	_ =	shalt  }
0x3f: {  	_ =	shalt  }
0x40: {  	_ =	shalt  }
0x41: {  	_ =	shalt  }
0x42: {  	_ =	shalt  }
0x43: {  	_ =	shalt  }
0x44: {  	_ =	shalt  }
0x45: {  	_ =	shalt  }
0x46: {  	_ =	shalt  }
0x47: {  	_ =	shalt  }
0x48: {  	_ =	shalt  }
0x49: {  	_ =	shalt  }
0x4a: {  	_ =	shalt  }
0x4b: {  	_ =	shalt  }
0x4c: {  	_ =	shalt  }
0x4d: {  	_ =	shalt  }
0x4e: {  	_ =	shalt  }
0x4f: {  	_ =	shalt  }
0x50: {  	_ =	shalt  }
0x51: {  	_ =	shalt  }
0x52: {  	_ =	shalt  }
0x53: {  	_ =	shalt  }
0x54: {  	_ =	shalt  }
0x55: {  	_ =	shalt  }
0x56: {  	_ =	shalt  }
0x57: {  	_ =	shalt  }
0x58: {  	_ =	shalt  }
0x59: {  	_ =	shalt  }
0x5a: {  	_ =	shalt  }
0x5b: {  	_ =	shalt  }
0x5c: {  	_ =	shalt  }
0x5d: {  	_ =	shalt  }
0x5e: {  	_ =	shalt  }
0x5f: {  	_ =	shalt  }
0x60: {  	_ =	shalt  }
0x61: {  	_ =	shalt  }
0x62: {  	_ =	shalt  }
0x63: {  	_ =	shalt  }
0x64: {  	_ =	shalt  }
0x65: {  	_ =	shalt  }
0x66: {  	_ =	shalt  }
0x67: {  	_ =	shalt  }
0x68: {  	_ =	shalt  }
0x69: {  	_ =	shalt  }
0x6a: {  	_ =	shalt  }
0x6b: {  	_ =	shalt  }
0x6c: {  	_ =	shalt  }
0x6d: {  	_ =	shalt  }
0x6e: {  	_ =	shalt  }
0x6f: {  	_ =	shalt  }
0x70: {  	_ =	shalt  }
0x71: {  	_ =	shalt  }
0x72: {  	_ =	shalt  }
0x73: {  	_ =	shalt  }
0x74: {  	_ =	shalt  }
0x75: {  	_ =	shalt  }
0x76: {  	_ =	shalt  }
0x77: {  	_ =	shalt  }
0x78: {  	_ =	shalt  }
0x79: {  	_ =	shalt  }
0x7a: {  	_ =	shalt  }
0x7b: {  	_ =	shalt  }
0x7c: {  	_ =	shalt  }
0x7d: {  	_ =	shalt  }
0x7e: {  	_ =	shalt  }
0x7f: {  	_ =	shalt  }
0x80: {  	_ =	shalt  }
0x81: {  	_ =	shalt  }
0x82: {  	_ =	shalt  }
0x83: {  	_ =	shalt  }
0x84: {  	_ =	shalt  }
0x85: {  	_ =	shalt  }
0x86: {  	_ =	shalt  }
0x87: {  	_ =	shalt  }
.Lfunc_end0:
.L_simem_size_0:
called_computation.1_lowered:
.L_overlay_start_0:
0x88: {  	s2 =	sld [smem:$0x3FD9]  }
0x89: {  	s3 =	sld [smem:$0x3FFE];
	_ =	sdelay $0x1  }
0x8a: {  	s1 =	srdreg.scid  }
0x8b: {  	s0 =	sand.u32 $0x1, s1  }
0x8c: {  	s17 =	sshll.u32 s0, $0xA;
	s2 =	sadd.s32 s3, s2  }
0x8d: {  	s2 =	sadd.s32 s2, s17  }
0x8e: {  	[smem:$0x3FC2] =	sst s2  }
0x8f: {  	_ = 	snop  }
0x90: {  	s2 =	sld [smem:$0x3FD0];
	(tm) =	ssettm $0x1  }
0x91: {  	s18 =	sld [smem:$0x3FFB];
	_ =	sdelay $0x3  }
0x92: {  	_ =	strace s18  }
0x93: {  	s3 =	sld [smem:$0x3FFC];
	_ =	sdelay $0x3  }
0x94: {  	_ =	strace s3  }
0x95: {  	s3 =	sld [smem:$0x3FFD];
	_ =	sdelay $0x3  }
0x96: {  	_ =	strace s3  }
0x97: {  	_ =	strace $0x8FFFFFFF  }
0x98: {  	s19 =	sld [smem:$0x3FDB];
	_ =	sdelay $0x1  }
0x99: {  	s4 =	simm.s32 $_scs_section_size  }
0x9a: {  	s5 =	simm.s32 $_size__tile_overlayer_lowered;
	s6 =	simm.s32 $_tile_overlayer_lowered  }
0x9b: {  	s22 =	simm.s32 $0x1BFF;
	s21 =	sshll.u32 s6, $0x1;
	s3 =	sadd.s32 s4, s19  }
0x9c: {  	s7 =	simm.s32 $0x0;
	s20 =	sshll.u32 s5, $0x1;
	s5 =	sadd.s32 s21, s3  }
0x9d: {  	[timem:s7], [sflag:s22] =	dma.local [hbm:s5], s20  }
0x9e: {  	_ =	swait.ge [sflag:s22], s20  }
0x9f: {  	s4 =	ssub.s32 $0x0, s20;
	[sflag:s22] =	ssyncset.done $0x0  }
0xa0: {  	[sflag:s22] =	ssyncadd.s32 s4;
	_ =	sdelay $0x1  }
0xa1: {  	s23 =	simm.s32 $0x1B8B  }
0xa2: {  	_ =	swait.ge [sflag:s23], $0x1  }
0xa3: {  	[sflag:s23] =	ssyncset.done $0x0  }
0xa4: {  	s25 =	simm.s32 $0x1B8E;
	s24 =	sld [smem:$0x3FFE];
	[sflag:s23] =	ssyncadd.s32 $0xFFFFFFFF  }
0xa5: {  	s26 =	simm.s32 $execute0_lowered;
	[smem:$0x3FD2] =	sst s25  }
0xa6: {  	s5 =	sshll.u32 s26, $0x1;
	_ =	strace $0x80000049;
	[dreg:$0x1] =	wrdreg $0xFFFFFFFF  }
0xa7: {  	s28 =	simm.s32 $_size_execute0_lowered;
	s3 =	sadd.s32 s3, s5;
	[dreg:$0x0] =	wrdreg $0x0  }
0xa8: {  	s5 =	sshll.u32 s28, $0x1;
	[dreg:$0x2] =	wrdreg s3  }
0xa9: {  	[dreg:$0x3] =	wrdreg s5  }
0xaa: {  	[dreg:$0x4] =	wrdreg $0xC0  }
0xab: {  	_ =	task [dreg:s7], $0x5FFFF  }
0xac: {  	[dreg:$0x1] =	wrdreg $0xFFFFFFFF  }
0xad: {  	[dreg:$0x0] =	wrdreg $0x60  }
0xae: {  	[dreg:$0x2] =	wrdreg s24  }
0xaf: {  	[dreg:$0x3] =	wrdreg s2  }
0xb0: {  	[dreg:$0x4] =	wrdreg $0x120000  }
0xb1: {  	[dreg:$0x5] =	wrdreg $0x9  }
0xb2: {  	_ =	task.clear_ibuf [dreg:s7], $0x6FFFF;
	_ =	strace $0x90000049  }
0xb3: {  	s29 =	simm.s32 $0x9;
	_ =	strace $0x8000004B  }
0xb4: {  	_ =	swait.ge [sflag:s29], $0x1  }
0xb5: {  	[sflag:s29] =	ssyncadd.s32 $0xFFFFFFFF  }
0xb6: {  	_ =	strace $0x9000004B  }
0xb7: {  	_ =	sfence  }
0xb8: {  	s30 =	sld [smem:$0x0];
	_ =	sdelay $0x2  }
0xb9: {  	s31 =	sshll.u32 s1, $0xD;
	s1 =	sshrl.u32 s1, $0x2  }
0xba: {  	s3 =	sand.u32 $0x4000, s31;
	s1 =	sadd.s32 s1, s30  }
0xbb: {  	s0 =	sor.u32 s3, s0;
	s1 =	sshll.u32 s1, $0x11  }
0xbc: {  	s0 =	sor.u32 s1, s0  }
0xbd: {  	s0 =	sadd.s32 $0x8F2B, s0  }
0xbe: {  	[sflag:s0] =	ssyncadd.remote.s32 $0x1  }
0xbf: {  	_ =	sfence.sel $0xFFFF  }
0xc0: {  	[dreg:$0x0] =	wrdreg $0xFFFFFFFF;
	(pc) =	sbr.abs _section_cstart, $3  }
0xc1: {  	[dreg:$0x1] =	wrdreg $0xFFFFFFFF  }
0xc2: {  	_ =	task.clear_ibuf [dreg:s7], $0x2FFFF;
	_ =	strace $0x9FFFFFFF  }
0xc3: {  	(tm) =	ssettm $0x7FFFFFFF  }
tec
execute0_lowered:
.L_overlay_start_1:
0x0: {  	(tag) =	ssettag $0x1  }
0x1: {  	s0 =	rddreg [dreg:$0x0]  }
0x2: {  	s1 =	rddreg [dreg:$0x1];
	s3 =	srdreg.scid  }
0x3: {  	s2 =	rddreg [dreg:$0x2];
	s15 =	stileid.u32;
	s12 =	simm.s32 $0x80  }
0x4: {  	s13 =	simm.s32 $0xA000;
	s14 =	simm.s32 $0xC000;
	s16 =	simm.s32 $0xE000  }
0x5: {  	s18 =	simm.s32 $0x10000;
	s21 =	simm.s32 $0x1;
	s22 =	simm.s32 $0x2  }
0x6: {  	s23 =	simm.s32 $0x3;
	s24 =	simm.s32 $0x4;
	s6 =	smul.u32 $0xA00, s15  }
0x7: {  	s28 =	simm.s32 $0x7;
	s29 =	simm.s32 $0x8;
	s7 =	smul.u32 $0x14000, s15  }
0x8: {  	s4 =	sand.u32 $0x1, s3;
	s3 =	simm.s32 $0x0;
	s11 =	smul.u32 $0x28000, s15  }
0x9: {  	s31 =	sshll.u32 s15, $0x6;
	s15 =	simm.s32 $0x0;
	s5 =	smul.u32 $0x14000, s4  }
0xa: {  	[smem:$0x7FF] =	sst s3;
	s25 =	sshll.u32 s4, $0x6;
	s26 =	ssub.s32 $0x2, s4  }
0xb: {  	s4 =	sadd.s32 $0xAC200, s0;
	s19 =	sor.u32 $0x1C09, s31;
	_ =	strace $0x8000004A  }
0xc: {  	s9 =	sadd.s32 s6, s0;
	s10 =	sshrl.u32 s26, $0x1;
	s30 =	sshrl.u32 s11, $0x2  }
0xd: {  	s11 =	simm.s32 $0x10;
	s8 =	sadd.s32 s5, s0;
	s5 =	sor.u32 s25, s7  }
0xe: {  	s10 =	ssub.s32 s26, s10;
	s25 =	simm.s32 $0x5;
	s5 =	sshrl.u32 s5, $0x3  }
0xf: {  	s26 =	simm.s32 $0x6;
	s7 =	sadd.s32 $0x84200, s8;
	s0 =	sadd.s32 s5, s0  }
0x10: {  	s5 =	sadd.s32 s1, s6;
	s6 =	sadd.s32 $0x2200, s9;
	s1 =	sadd.s32 s30, s2  }
0x11: {  	s9 =	smax.u32 s10, $0x1;
	s10 =	simm.s32 $0x9;
	s8 =	sadd.s32 $0xAD600, s0  }
0x12: {  	s20 =	sshrl.u32 s1, $0x3;
	s0 =	simm.s32 $0x9F00;
	s1 =	simm.s32 $0x9F80  }
.LBB2_1:
0x13: {  	[tilespmem:s3], [sflag:$0x9] =	stream.linear.gather [hbm4b:s5+s3], $0x5000, $0x38;
	[tilespmem:$0x1C000] =	vst v63  }
0x14: {  	_ =	swait.ge [sflag:s10], $0x5000  }
0x15: {  	[sflag:s10] =	ssyncset.done $0x0  }
0x16: {  	s17 =	simm.s32 $0x5000;
	[sflag:s10] =	ssyncadd.s32 $0xFFFFB000  }
0x17: {  	[tilespmem:s17], [sflag:$0x9] =	stream.linear.gather [hbm4b:s6+s3], $0x5000, $0x38;
	[tilespmem:$0x1C000] =	vst v63  }
0x18: {  	_ =	swait.ge [sflag:s10], $0x5000  }
0x19: {  	[sflag:s10] =	ssyncset.done $0x0  }
0x1a: {  	[sflag:s10] =	ssyncadd.s32 $0xFFFFB000  }
0x1b: {  	[tilespmem:s13], [sflag:$0x1] =	stream.indirect.gather [hbm4b:s7+s12], $0x40, s3, s12, $0xb8;
	[tilespmem:$0x1C000] =	vst v63  }
0x1c: {  	_ = 	snop  }
0x1d: {  	[tilespmem:s14], [sflag:$0x2] =	stream.indirect.gather [hbm4b:s7+s12], $0x40, s12, s12, $0xb8;
	[tilespmem:$0x1C000] =	vst v63  }
0x1e: {  	s31 =	simm.s32 $0x100  }
0x1f: {  	[tilespmem:s16], [sflag:$0x3] =	stream.indirect.gather [hbm4b:s7+s12], $0x40, s31, s12, $0xb8;
	[tilespmem:$0x1C000] =	vst v63  }
0x20: {  	s31 =	simm.s32 $0x180  }
0x21: {  	[tilespmem:s18], [sflag:$0x4] =	stream.indirect.gather [hbm4b:s7+s12], $0x40, s31, s12, $0xb8;
	[tilespmem:$0x1C000] =	vst v63  }
0x22: {  	[spmem:s20], [sflag:s19] =	dma.local [hbm:s4], $0x1400  }
0x23: {  	_ =	swait.ge [sflag:s10], $0x1400  }
0x24: {  	[sflag:s10] =	ssyncset.done $0x0  }
0x25: {  	[sflag:s10] =	ssyncadd.s32 $0xFFFFEC00  }
0x26: {  	[bflag:$0x0] =	sbarrier.arrive $0xFFFF  }
0x27: {  	_ =	swait.ge [sflag:s21], $0x2000  }
0x28: {  	[sflag:s21] =	ssyncset.done $0x0  }
0x29: {  	s31 =	simm.s32 $0x5000;
	[sflag:s21] =	ssyncadd.s32 $0xFFFFE000  }
0x2a: {  	[spmem:s2] =	stream.indirect.scatter.add.f32 [tilespmem:s13], [sflag:$0x5], $0x40, s31, s12, $0xb8;
	[tilespmem:$0x1C000] =	vst v63  }
0x2b: {  	_ =	swait.ge [sflag:s22], $0x2000  }
0x2c: {  	[sflag:s22] =	ssyncset.done $0x0  }
0x2d: {  	s31 =	simm.s32 $0x5080;
	[sflag:s22] =	ssyncadd.s32 $0xFFFFE000  }
0x2e: {  	[spmem:s2] =	stream.indirect.scatter.add.f32 [tilespmem:s14], [sflag:$0x6], $0x40, s31, s12, $0xb8;
	[tilespmem:$0x1C000] =	vst v63  }
0x2f: {  	_ =	swait.ge [sflag:s23], $0x2000  }
0x30: {  	[sflag:s23] =	ssyncset.done $0x0  }
0x31: {  	s31 =	simm.s32 $0x5100;
	[sflag:s23] =	ssyncadd.s32 $0xFFFFE000  }
0x32: {  	[spmem:s2] =	stream.indirect.scatter.add.f32 [tilespmem:s16], [sflag:$0x7], $0x40, s31, s12, $0xb8;
	[tilespmem:$0x1C000] =	vst v63  }
0x33: {  	_ =	swait.ge [sflag:s24], $0x2000  }
0x34: {  	[sflag:s24] =	ssyncset.done $0x0  }
0x35: {  	s31 =	simm.s32 $0x5180;
	[sflag:s24] =	ssyncadd.s32 $0xFFFFE000  }
0x36: {  	[spmem:s2] =	stream.indirect.scatter.add.f32 [tilespmem:s18], [sflag:$0x8], $0x40, s31, s12, $0xb8;
	[tilespmem:$0x1C000] =	vst v63  }
0x37: {  	_ =	swait.ge [sflag:s25], $0x2000  }
0x38: {  	[sflag:s25] =	ssyncset.done $0x0  }
0x39: {  	s31 =	simm.s32 $0x200;
	[sflag:s25] =	ssyncadd.s32 $0xFFFFE000  }
0x3a: {  	[tilespmem:s13], [sflag:$0x1] =	stream.indirect.gather [hbm4b:s7+s12], $0x40, s31, s12, $0xb8;
	[tilespmem:$0x1C000] =	vst v63  }
0x3b: {  	_ =	swait.ge [sflag:s26], $0x2000  }
0x3c: {  	[sflag:s26] =	ssyncset.done $0x0  }
0x3d: {  	s31 =	simm.s32 $0x280;
	[sflag:s26] =	ssyncadd.s32 $0xFFFFE000  }
0x3e: {  	[tilespmem:s14], [sflag:$0x2] =	stream.indirect.gather [hbm4b:s7+s12], $0x40, s31, s12, $0xb8;
	[tilespmem:$0x1C000] =	vst v63  }
0x3f: {  	_ =	swait.ge [sflag:s28], $0x2000  }
0x40: {  	[sflag:s28] =	ssyncset.done $0x0  }
0x41: {  	s31 =	simm.s32 $0x300;
	[sflag:s28] =	ssyncadd.s32 $0xFFFFE000  }
0x42: {  	[tilespmem:s16], [sflag:$0x3] =	stream.indirect.gather [hbm4b:s7+s12], $0x40, s31, s12, $0xb8;
	[tilespmem:$0x1C000] =	vst v63  }
0x43: {  	_ =	swait.ge [sflag:s29], $0x2000  }
0x44: {  	[sflag:s29] =	ssyncset.done $0x0  }
0x45: {  	s30 =	simm.s32 $0x380;
	s17 =	simm.s32 $0x800;
	[sflag:s29] =	ssyncadd.s32 $0xFFFFE000  }
.LBB2_2:
0x46: {  	[tilespmem:s18], [sflag:$0x4] =	stream.indirect.gather [hbm4b:s7+s12], $0x40, s30, s12, $0xb8;
	[tilespmem:$0x1C000] =	vst v63  }
0x47: {  	s30 =	smov.u32 s17  }
0x48: {  	p0 =	sne.s32 s17, $0x13000;
	s17 =	sadd.s32 $0x800, s17;
	_ =	swait.ge [sflag:s21], $0x2000  }
0x49: {  	s30 =	sshra.s32 s30, $0x2;
	[sflag:s21] =	ssyncset.done $0x0  }
0x4a: {  	s31 =	sadd.s32 $0x5000, s30;
	[sflag:s21] =	ssyncadd.s32 $0xFFFFE000  }
0x4b: {  	[spmem:s2] =	stream.indirect.scatter.add.f32 [tilespmem:s13], [sflag:$0x5], $0x40, s31, s12, $0xb8;
	[tilespmem:$0x1C000] =	vst v63  }
0x4c: {  	_ =	swait.ge [sflag:s22], $0x2000  }
0x4d: {  	[sflag:s22] =	ssyncset.done $0x0  }
0x4e: {  	s31 =	sadd.s32 $0x5080, s30;
	[sflag:s22] =	ssyncadd.s32 $0xFFFFE000  }
0x4f: {  	[spmem:s2] =	stream.indirect.scatter.add.f32 [tilespmem:s14], [sflag:$0x6], $0x40, s31, s12, $0xb8;
	[tilespmem:$0x1C000] =	vst v63  }
0x50: {  	_ =	swait.ge [sflag:s23], $0x2000  }
0x51: {  	[sflag:s23] =	ssyncset.done $0x0  }
0x52: {  	s31 =	sadd.s32 $0x5100, s30;
	[sflag:s23] =	ssyncadd.s32 $0xFFFFE000  }
0x53: {  	[spmem:s2] =	stream.indirect.scatter.add.f32 [tilespmem:s16], [sflag:$0x7], $0x40, s31, s12, $0xb8;
	[tilespmem:$0x1C000] =	vst v63  }
0x54: {  	_ =	swait.ge [sflag:s24], $0x2000  }
0x55: {  	[sflag:s24] =	ssyncset.done $0x0  }
0x56: {  	s31 =	sadd.s32 $0x5180, s30;
	[sflag:s24] =	ssyncadd.s32 $0xFFFFE000  }
0x57: {  	[spmem:s2] =	stream.indirect.scatter.add.f32 [tilespmem:s18], [sflag:$0x8], $0x40, s31, s12, $0xb8;
	[tilespmem:$0x1C000] =	vst v63  }
0x58: {  	_ =	swait.ge [sflag:s25], $0x2000  }
0x59: {  	[sflag:s25] =	ssyncset.done $0x0  }
0x5a: {  	s31 =	sadd.s32 $0x200, s30;
	[sflag:s25] =	ssyncadd.s32 $0xFFFFE000  }
0x5b: {  	[tilespmem:s13], [sflag:$0x1] =	stream.indirect.gather [hbm4b:s7+s12], $0x40, s31, s12, $0xb8;
	[tilespmem:$0x1C000] =	vst v63  }
0x5c: {  	_ =	swait.ge [sflag:s26], $0x2000  }
0x5d: {  	[sflag:s26] =	ssyncset.done $0x0  }
0x5e: {  	s31 =	sadd.s32 $0x280, s30;
	[sflag:s26] =	ssyncadd.s32 $0xFFFFE000  }
0x5f: {  	[tilespmem:s14], [sflag:$0x2] =	stream.indirect.gather [hbm4b:s7+s12], $0x40, s31, s12, $0xb8;
	[tilespmem:$0x1C000] =	vst v63  }
0x60: {  	_ =	swait.ge [sflag:s28], $0x2000  }
0x61: {  	[sflag:s28] =	ssyncset.done $0x0  }
.Ltmp0:
0x62: {  	s31 =	sadd.s32 $0x300, s30;
	[sflag:s28] =	ssyncadd.s32 $0xFFFFE000;
	(pc) =	sbr.rel @p0 .LBB2_2-.Ltmp0, $4  }
0x63: {  	[tilespmem:s16], [sflag:$0x3] =	stream.indirect.gather [hbm4b:s7+s12], $0x40, s31, s12, $0xb8;
	[tilespmem:$0x1C000] =	vst v63  }
0x64: {  	_ =	swait.ge [sflag:s29], $0x2000  }
0x65: {  	[sflag:s29] =	ssyncset.done $0x0  }
0x66: {  	s30 =	sadd.s32 $0x380, s30;
	[sflag:s29] =	ssyncadd.s32 $0xFFFFE000  }
0x67: {  	[tilespmem:s18], [sflag:$0x4] =	stream.indirect.gather [hbm4b:s7+s12], $0x40, s30, s12, $0xb8;
	[tilespmem:$0x1C000] =	vst v63  }
0x68: {  	_ =	swait.ge [sflag:s21], $0x2000  }
0x69: {  	[sflag:s21] =	ssyncset.done $0x0  }
0x6a: {  	s17 =	simm.s32 $0x9E00;
	[sflag:s21] =	ssyncadd.s32 $0xFFFFE000  }
0x6b: {  	[spmem:s2] =	stream.indirect.scatter.add.f32 [tilespmem:s13], [sflag:$0x5], $0x40, s17, s12, $0xb8;
	[tilespmem:$0x1C000] =	vst v63  }
0x6c: {  	_ =	swait.ge [sflag:s22], $0x2000  }
0x6d: {  	[sflag:s22] =	ssyncset.done $0x0  }
0x6e: {  	s31 =	simm.s32 $0x9E80;
	[sflag:s22] =	ssyncadd.s32 $0xFFFFE000  }
0x6f: {  	[spmem:s2] =	stream.indirect.scatter.add.f32 [tilespmem:s14], [sflag:$0x6], $0x40, s31, s12, $0xb8;
	[tilespmem:$0x1C000] =	vst v63  }
0x70: {  	_ =	swait.ge [sflag:s23], $0x2000  }
0x71: {  	[sflag:s23] =	ssyncset.done $0x0  }
0x72: {  	[sflag:s23] =	ssyncadd.s32 $0xFFFFE000  }
0x73: {  	[spmem:s2] =	stream.indirect.scatter.add.f32 [tilespmem:s16], [sflag:$0x7], $0x40, s0, s12, $0xb8;
	[tilespmem:$0x1C000] =	vst v63  }
0x74: {  	_ =	swait.ge [sflag:s24], $0x2000  }
0x75: {  	[sflag:s24] =	ssyncset.done $0x0  }
0x76: {  	[sflag:s24] =	ssyncadd.s32 $0xFFFFE000  }
0x77: {  	[spmem:s2] =	stream.indirect.scatter.add.f32 [tilespmem:s18], [sflag:$0x8], $0x40, s1, s12, $0xb8;
	[tilespmem:$0x1C000] =	vst v63  }
0x78: {  	_ =	swait.ge [sflag:s25], $0x2000  }
0x79: {  	[sflag:s25] =	ssyncset.done $0x0  }
0x7a: {  	[sflag:s25] =	ssyncadd.s32 $0xFFFFE000  }
0x7b: {  	_ =	swait.ge [sflag:s26], $0x2000  }
0x7c: {  	[sflag:s26] =	ssyncset.done $0x0  }
0x7d: {  	[sflag:s26] =	ssyncadd.s32 $0xFFFFE000  }
0x7e: {  	_ =	swait.ge [sflag:s28], $0x2000  }
0x7f: {  	[sflag:s28] =	ssyncset.done $0x0  }
0x80: {  	[sflag:s28] =	ssyncadd.s32 $0xFFFFE000  }
0x81: {  	_ =	swait.ge [sflag:s29], $0x2000  }
0x82: {  	s15 =	sadd.s32 $0x1, s15;
	[sflag:s29] =	ssyncset.done $0x0  }
0x83: {  	p0 =	sne.s32 s15, s9;
	[sflag:s29] =	ssyncadd.s32 $0xFFFFE000  }
.Ltmp1:
0x84: {  	[bflag:$0x0] =	sbarrier.arrive $0xFFFF;
	(pc) =	sbr.rel @p0 .LBB2_1-.Ltmp1, $4  }
0x85: {  	[hbm:s8@s11], [sflag:s19] =	dma.strided [spmem:s20@s29], $0x1400, s21, $0x8   }
0x86: {  	_ =	swait.ge [sflag:s10], $0x1400  }
0x87: {  	[sflag:s10] =	ssyncset.done $0x0  }
0x88: {  	[sflag:s10] =	ssyncadd.s32 $0xFFFFEC00  }
0x89: {  	_ =	sfence.sel $0x180000  }
0x8a: {  	[bflag:$0x0] =	sbarrier.arrive $0xFFFF  }
0x8b: {  	_ =	strace $0x9000004A  }
0x8c: {  	s0 =	stileid.u32;
	[bflag:$0x2] =	sbarrier.arrive $0xFFFF  }
0x8d: {  	p0 =	sne.s32 s0, $0x0;
	s0 =	rddreg [dreg:$0x3]  }
0x8e: {  	s0 =	sadd.s32 @!p0 $0x100000, s0  }
0x8f: {  	[sflag:s0] =	ssyncadd.tile.s32 @!p0 $0x1;
	_ =	shalt  }
.Lfunc_end2:
_tile_overlayer_lowered:
.L_overlay_start_2:
0x90: {  	(tag) =	ssettag $0x2  }
0x91: {  	s0 =	rddreg [dreg:$0x0];
	s2 =	stileid.u32  }
0x92: {  	s1 =	rddreg [dreg:$0x1];
	p0 =	sne.s32 s2, $0x0  }
0x93: {  	s3 =	rddreg [dreg:$0x2];
	[bflag:$0x3] =	sbarrier.arrive $0xFFFF;
	s2 =	simm.s32 @!p0 $0x1C09  }
0x94: {  	[timem:s3], [sflag:s2] =	dma.local @!p0 [hbm:s0], s1  }
0x95: {  	s0 =	simm.s32 @!p0 $0x9  }
0x96: {  	_ =	swait.ge @!p0 [sflag:s0], s1  }
0x97: {  	s1 =	ssub.s32 @!p0 $0x0, s1;
	[sflag:s0] =	ssyncset.done @!p0 $0x0  }
0x98: {  	[sflag:s0] =	ssyncadd.s32 @!p0 s1  }
0x99: {  	[bflag:$0x3] =	sbarrier.arrive $0xFFFF  }
0x9a: {  	_ =	shalt  }

// kernel: kernel.14.cloned.1.call-start
scs
__scs_entry_jumppad:
0x0: {  	(pc) =	sbr.rel $0x88, $3  }
0x1: {  	(tag) =	ssettag $0x0;
	lr =	simm.s32 $0x1  }
0x2: {  	[smem:$0x3F9B] =	sst lr;
	_ =	strace $0xD0000000  }
0x3: {  	_ = 	snop  }
0x4: {  	_ = 	snop  }
0x5: {  	_ = 	snop  }
0x6: {  	_ = 	snop  }
0x7: {  	_ = 	snop  }
__scs_overlays_trampoline_lowered:
0x8: {  	[smem:$0x3FAA] =	sst s0  }
0x9: {  	[smem:$0x3FAB] =	sst s1  }
0xa: {  	[smem:$0x3FAC] =	sst s2  }
0xb: {  	[smem:$0x3FAD] =	sst s3  }
0xc: {  	[smem:$0x3FAE] =	sst s4  }
0xd: {  	[smem:$0x3FAF] =	sst s5  }
0xe: {  	[smem:$0x3FB0] =	sst s6  }
0xf: {  	[smem:$0x3FB1] =	sst s7  }
0x10: {  	[smem:$0x3FB2] =	sst s8  }
0x11: {  	[smem:$0x3FB3] =	sst s9;
	s0 =	simm.s32 @!p0 $0x0  }
0x12: {  	s1 =	sld [smem:$0x3F99];
	s0 =	simm.s32 @p0 $0x1  }
0x13: {  	[smem:$0x3FB4] =	sst s0;
	s0 =	simm.s32 @!p1 $0x0  }
0x14: {  	s2 =	sld [smem:$0x3F98];
	s0 =	simm.s32 @p1 $0x1  }
0x15: {  	[smem:$0x3FB5] =	sst s0;
	s0 =	simm.s32 @!p2 $0x0  }
0x16: {  	s3 =	sld [smem:$0x3FDB];
	s0 =	simm.s32 @p2 $0x1  }
0x17: {  	s4 =	simm.s32 $0x1BF5;
	[smem:$0x3FB7] =	sst s0  }
0x18: {  	s0 =	sld [smem:$0x3F9A];
	_ =	swait.ge [sflag:s4], $0x0  }
0x19: {  	s7 =	sld [smem:$0x3F9B]  }
0x1a: {  	s8 =	sadd.s32 $0xFFFFE003, lr  }
0x1b: {  	s9 =	sadd.s32 $0xFFFFFEF7, lr;
	s5 =	simm.s32 $0xFFFFFFFF;
	p2 =	slt.u32 s8, $0xFFFFF086  }
0x1c: {  	p1 =	slt.u32 s9, $0xF7A;
	s5 =	simm.s32 @!p2 $0x0  }
0x1d: {  	s5 =	simm.s32 @p1 $0x1;
	p0 =	seq.s32 s7, s2  }
0x1e: {  	s7 =	smul.u32 @!p0 $0xF7A, s2;
	p2 =	seq.s32 @!p0 s5, $0x0  }
0x1f: {  	s9 =	smul.u32 $0xF7A, s1;
	s8 =	simm.s32 @!p0 $0x1BF5;
	p2 =	por !p2, p0  }
0x20: {  	[sflag:s8] =	ssyncset.s32 @!p0 $0xFFFFF086;
	s6 =	sadd.s32 @!p0 s3, s7;
	s7 =	simm.s32 @!p0 $0x108  }
0x21: {  	s3 =	sadd.s32 s3, s9;
	s6 =	sadd.s32 @!p0 $0x88, s6;
	s7 =	simm.s32 @p2 $0x1082  }
0x22: {  	[simem:s7], [sflag:s8] =	dma.local @!p0 [hbm:s6], $0xF7A  }
0x23: {  	s9 =	sor.u32 $0xD0000000, s2;
	s6 =	simm.s32 $0x108;
	_ =	swait.ge @!p0 [sflag:s8], $0x0  }
0x24: {  	s3 =	sadd.s32 $0x88, s3;
	s6 =	simm.s32 @!p1 $0x1082;
	[sflag:s4] =	ssyncset.s32 $0xFFFFF086  }
0x25: {  	[simem:s6], [sflag:s4] =	dma.local [hbm:s3], $0xF7A  }
0x26: {  	[smem:$0x3F9B] =	sst s1;
	(tag) =	ssettag s2;
	_ =	strace s9  }
0x27: {  	s1 =	sld [smem:$0x3FAB]  }
0x28: {  	s2 =	sld [smem:$0x3FAC]  }
0x29: {  	s4 =	sld [smem:$0x3FAE]  }
0x2a: {  	p0 =	seq.s32 s5, $0x0;
	s5 =	sld [smem:$0x3FAF]  }
0x2b: {  	s6 =	sld [smem:$0x3FB0]  }
0x2c: {  	s7 =	sld [smem:$0x3FB1]  }
0x2d: {  	s3 =	simm.s32 $0x108;
	s8 =	sld [smem:$0x3FB2]  }
0x2e: {  	s3 =	simm.s32 @!p0 $0x1082;
	s9 =	sld [smem:$0x3FB3]  }
0x2f: {  	lr =	sadd.s32 s0, s3;
	s0 =	sld [smem:$0x3FAA]  }
0x30: {  	s3 =	sld [smem:$0x3FAD]  }
0x31: {  	[smem:$0x3FB6] =	sst s10  }
0x32: {  	s10 =	sld [smem:$0x3FB4];
	_ =	sdelay $0x3  }
0x33: {  	p0 =	seq.s32 s10, $0x1;
	s10 =	sld [smem:$0x3FB6];
	_ =	sdelay $0x3  }
0x34: {  	[smem:$0x3FB6] =	sst s10  }
0x35: {  	s10 =	sld [smem:$0x3FB5];
	_ =	sdelay $0x3  }
0x36: {  	p1 =	seq.s32 s10, $0x1;
	s10 =	sld [smem:$0x3FB6];
	_ =	sdelay $0x3  }
0x37: {  	[smem:$0x3FB6] =	sst s10  }
0x38: {  	s10 =	sld [smem:$0x3FB7]  }
0x39: {  	_ = 	snop;
	(pc) =	sbr.ind lr, $3  }
0x3a: {  	_ = 	snop  }
0x3b: {  	_ = 	snop  }
0x3c: {  	p2 =	seq.s32 s10, $0x1;
	s10 =	sld [smem:$0x3FB6]  }
0x3d: {  	_ =	shalt  }
0x3e: {  	_ =	shalt  }
0x3f: {  	_ =	shalt  }
0x40: {  	_ =	shalt  }
0x41: {  	_ =	shalt  }
0x42: {  	_ =	shalt  }
0x43: {  	_ =	shalt  }
0x44: {  	_ =	shalt  }
0x45: {  	_ =	shalt  }
0x46: {  	_ =	shalt  }
0x47: {  	_ =	shalt  }
0x48: {  	_ =	shalt  }
0x49: {  	_ =	shalt  }
0x4a: {  	_ =	shalt  }
0x4b: {  	_ =	shalt  }
0x4c: {  	_ =	shalt  }
0x4d: {  	_ =	shalt  }
0x4e: {  	_ =	shalt  }
0x4f: {  	_ =	shalt  }
0x50: {  	_ =	shalt  }
0x51: {  	_ =	shalt  }
0x52: {  	_ =	shalt  }
0x53: {  	_ =	shalt  }
0x54: {  	_ =	shalt  }
0x55: {  	_ =	shalt  }
0x56: {  	_ =	shalt  }
0x57: {  	_ =	shalt  }
0x58: {  	_ =	shalt  }
0x59: {  	_ =	shalt  }
0x5a: {  	_ =	shalt  }
0x5b: {  	_ =	shalt  }
0x5c: {  	_ =	shalt  }
0x5d: {  	_ =	shalt  }
0x5e: {  	_ =	shalt  }
0x5f: {  	_ =	shalt  }
0x60: {  	_ =	shalt  }
0x61: {  	_ =	shalt  }
0x62: {  	_ =	shalt  }
0x63: {  	_ =	shalt  }
0x64: {  	_ =	shalt  }
0x65: {  	_ =	shalt  }
0x66: {  	_ =	shalt  }
0x67: {  	_ =	shalt  }
0x68: {  	_ =	shalt  }
0x69: {  	_ =	shalt  }
0x6a: {  	_ =	shalt  }
0x6b: {  	_ =	shalt  }
0x6c: {  	_ =	shalt  }
0x6d: {  	_ =	shalt  }
0x6e: {  	_ =	shalt  }
0x6f: {  	_ =	shalt  }
0x70: {  	_ =	shalt  }
0x71: {  	_ =	shalt  }
0x72: {  	_ =	shalt  }
0x73: {  	_ =	shalt  }
0x74: {  	_ =	shalt  }
0x75: {  	_ =	shalt  }
0x76: {  	_ =	shalt  }
0x77: {  	_ =	shalt  }
0x78: {  	_ =	shalt  }
0x79: {  	_ =	shalt  }
0x7a: {  	_ =	shalt  }
0x7b: {  	_ =	shalt  }
0x7c: {  	_ =	shalt  }
0x7d: {  	_ =	shalt  }
0x7e: {  	_ =	shalt  }
0x7f: {  	_ =	shalt  }
0x80: {  	_ =	shalt  }
0x81: {  	_ =	shalt  }
0x82: {  	_ =	shalt  }
0x83: {  	_ =	shalt  }
0x84: {  	_ =	shalt  }
0x85: {  	_ =	shalt  }
0x86: {  	_ =	shalt  }
0x87: {  	_ =	shalt  }
.Lfunc_end0:
.L_simem_size_0:
called_computation.2_lowered:
.L_overlay_start_0:
0x88: {  	s2 =	sld [smem:$0x3FD9]  }
0x89: {  	s3 =	sld [smem:$0x3FFE];
	_ =	sdelay $0x1  }
0x8a: {  	s1 =	srdreg.scid  }
0x8b: {  	s0 =	sand.u32 $0x1, s1  }
0x8c: {  	s17 =	sshll.u32 s0, $0xA;
	s2 =	sadd.s32 s3, s2  }
0x8d: {  	s2 =	sadd.s32 s2, s17  }
0x8e: {  	[smem:$0x3FC2] =	sst s2  }
0x8f: {  	_ = 	snop  }
0x90: {  	s2 =	sld [smem:$0x3FD0];
	(tm) =	ssettm $0x1  }
0x91: {  	s18 =	sld [smem:$0x3FFB];
	_ =	sdelay $0x3  }
0x92: {  	_ =	strace s18  }
0x93: {  	s3 =	sld [smem:$0x3FFC];
	_ =	sdelay $0x3  }
0x94: {  	_ =	strace s3  }
0x95: {  	s3 =	sld [smem:$0x3FFD];
	_ =	sdelay $0x3  }
0x96: {  	_ =	strace s3  }
0x97: {  	_ =	strace $0x8FFFFFFF  }
0x98: {  	s19 =	sld [smem:$0x3FDB];
	_ =	sdelay $0x1  }
0x99: {  	s4 =	simm.s32 $_scs_section_size  }
0x9a: {  	s5 =	simm.s32 $_size__tile_overlayer_lowered;
	s6 =	simm.s32 $_tile_overlayer_lowered  }
0x9b: {  	s22 =	simm.s32 $0x1BFF;
	s21 =	sshll.u32 s6, $0x1;
	s3 =	sadd.s32 s4, s19  }
0x9c: {  	s7 =	simm.s32 $0x0;
	s20 =	sshll.u32 s5, $0x1;
	s5 =	sadd.s32 s21, s3  }
0x9d: {  	[timem:s7], [sflag:s22] =	dma.local [hbm:s5], s20  }
0x9e: {  	_ =	swait.ge [sflag:s22], s20  }
0x9f: {  	s4 =	ssub.s32 $0x0, s20;
	[sflag:s22] =	ssyncset.done $0x0  }
0xa0: {  	[sflag:s22] =	ssyncadd.s32 s4;
	_ =	sdelay $0x1  }
0xa1: {  	s23 =	simm.s32 $0x1B8B  }
0xa2: {  	_ =	swait.ge [sflag:s23], $0x1  }
0xa3: {  	[sflag:s23] =	ssyncset.done $0x0  }
0xa4: {  	s25 =	simm.s32 $0x1B8E;
	s24 =	sld [smem:$0x3FFE];
	[sflag:s23] =	ssyncadd.s32 $0xFFFFFFFF  }
0xa5: {  	s26 =	simm.s32 $execute0_lowered;
	[smem:$0x3FD2] =	sst s25  }
0xa6: {  	s5 =	sshll.u32 s26, $0x1;
	_ =	strace $0x8000004C;
	[dreg:$0x1] =	wrdreg $0xFFFFFFFF  }
0xa7: {  	s28 =	simm.s32 $_size_execute0_lowered;
	s3 =	sadd.s32 s3, s5;
	[dreg:$0x0] =	wrdreg $0x0  }
0xa8: {  	s5 =	sshll.u32 s28, $0x1;
	[dreg:$0x2] =	wrdreg s3  }
0xa9: {  	[dreg:$0x3] =	wrdreg s5  }
0xaa: {  	[dreg:$0x4] =	wrdreg $0xC0  }
0xab: {  	_ =	task [dreg:s7], $0x5FFFF  }
0xac: {  	[dreg:$0x1] =	wrdreg $0xFFFFFFFF  }
0xad: {  	[dreg:$0x0] =	wrdreg $0x60  }
0xae: {  	[dreg:$0x2] =	wrdreg s24  }
0xaf: {  	[dreg:$0x3] =	wrdreg s2  }
0xb0: {  	[dreg:$0x4] =	wrdreg $0xB0000  }
0xb1: {  	[dreg:$0x5] =	wrdreg $0x9  }
0xb2: {  	_ =	task.clear_ibuf [dreg:s7], $0x6FFFF;
	_ =	strace $0x9000004C  }
0xb3: {  	s29 =	simm.s32 $0x9;
	_ =	strace $0x8000004E  }
0xb4: {  	_ =	swait.ge [sflag:s29], $0x1  }
0xb5: {  	[sflag:s29] =	ssyncadd.s32 $0xFFFFFFFF  }
0xb6: {  	_ =	strace $0x9000004E  }
0xb7: {  	_ =	sfence  }
0xb8: {  	s30 =	sld [smem:$0x0];
	_ =	sdelay $0x2  }
0xb9: {  	s31 =	sshll.u32 s1, $0xD;
	s1 =	sshrl.u32 s1, $0x2  }
0xba: {  	s3 =	sand.u32 $0x4000, s31;
	s1 =	sadd.s32 s1, s30  }
0xbb: {  	s0 =	sor.u32 s3, s0;
	s1 =	sshll.u32 s1, $0x11  }
0xbc: {  	s0 =	sor.u32 s1, s0  }
0xbd: {  	s0 =	sadd.s32 $0x8F2B, s0  }
0xbe: {  	[sflag:s0] =	ssyncadd.remote.s32 $0x1  }
0xbf: {  	_ =	sfence.sel $0xFFFF  }
0xc0: {  	[dreg:$0x0] =	wrdreg $0xFFFFFFFF;
	(pc) =	sbr.abs _section_cstart, $3  }
0xc1: {  	[dreg:$0x1] =	wrdreg $0xFFFFFFFF  }
0xc2: {  	_ =	task.clear_ibuf [dreg:s7], $0x2FFFF;
	_ =	strace $0x9FFFFFFF  }
0xc3: {  	(tm) =	ssettm $0x7FFFFFFF  }
tec
execute0_lowered:
.L_overlay_start_1:
0x0: {  	(tag) =	ssettag $0x1  }
0x1: {  	s0 =	rddreg [dreg:$0x0]  }
0x2: {  	s1 =	rddreg [dreg:$0x1]  }
0x3: {  	s2 =	rddreg [dreg:$0x2];
	s3 =	srdreg.scid  }
0x4: {  	s15 =	stileid.u32;
	s12 =	simm.s32 $0x80;
	s13 =	simm.s32 $0x5000  }
0x5: {  	s14 =	simm.s32 $0x6800;
	s16 =	simm.s32 $0x8000;
	s18 =	simm.s32 $0x9800  }
0x6: {  	s21 =	simm.s32 $0x1;
	s22 =	simm.s32 $0x2;
	s23 =	simm.s32 $0x3  }
0x7: {  	s24 =	simm.s32 $0x4;
	s25 =	simm.s32 $0x5;
	s28 =	simm.s32 $0x7  }
0x8: {  	s29 =	simm.s32 $0x8;
	s31 =	simm.s32 $0x4E80;
	s5 =	sand.u32 $0x1, s3  }
0x9: {  	s3 =	simm.s32 $0x0;
	s8 =	smul.u32 $0x7800, s15;
	s30 =	sshll.u32 s15, $0x6  }
0xa: {  	s4 =	sshll.u32 s5, $0x4;
	[smem:$0x7FF] =	sst s3;
	s6 =	smul.u32 $0x78000, s5  }
0xb: {  	s9 =	ssub.s32 $0x2, s5;
	s5 =	sadd.s32 $0x1B200, s0;
	s19 =	sor.u32 $0x1C09, s30  }
0xc: {  	s4 =	sor.u32 s15, s4;
	_ =	strace $0x8000004D;
	s11 =	sshrl.u32 s9, $0x1  }
0xd: {  	s26 =	sadd.s32 s8, s2;
	s7 =	smul.u32 $0x500, s4;
	s4 =	sadd.s32 $0xC200, s0  }
0xe: {  	s6 =	sadd.s32 s8, s6;
	s9 =	ssub.s32 s9, s11;
	s20 =	sshrl.u32 s26, $0x3  }
0xf: {  	s26 =	simm.s32 $0x6;
	s11 =	simm.s32 $0x0;
	s6 =	sshrl.u32 s6, $0x3  }
0x10: {  	s9 =	smax.u32 s9, $0x1;
	s10 =	sadd.s32 s7, s0;
	s0 =	sadd.s32 s6, s0  }
0x11: {  	s6 =	sadd.s32 s1, s7;
	s1 =	simm.s32 $0x4F80;
	s7 =	sadd.s32 $0x2200, s10  }
0x12: {  	s8 =	sadd.s32 $0x1C200, s0;
	s10 =	simm.s32 $0x9;
	s0 =	simm.s32 $0x4F00  }
.LBB2_1:
0x13: {  	[tilespmem:s3], [sflag:$0x9] =	stream.linear.gather [hbm4b:s6+s3], $0x2800, $0x38;
	[tilespmem:$0x12800] =	vst v63  }
0x14: {  	_ =	swait.ge [sflag:s10], $0x2800  }
0x15: {  	[sflag:s10] =	ssyncset.done $0x0  }
0x16: {  	s15 =	simm.s32 $0x2800;
	[sflag:s10] =	ssyncadd.s32 $0xFFFFD800  }
0x17: {  	[tilespmem:s15], [sflag:$0x9] =	stream.linear.gather [hbm4b:s7+s3], $0x2800, $0x38;
	[tilespmem:$0x12800] =	vst v63  }
0x18: {  	_ =	swait.ge [sflag:s10], $0x2800  }
0x19: {  	[sflag:s10] =	ssyncset.done $0x0  }
0x1a: {  	[sflag:s10] =	ssyncadd.s32 $0xFFFFD800  }
0x1b: {  	[tilespmem:s13], [sflag:$0x1] =	stream.indirect.gather [hbm4b:s4+s12], $0x30, s3, s12, $0xb8;
	[tilespmem:$0x12800] =	vst v63  }
0x1c: {  	_ = 	snop  }
0x1d: {  	[tilespmem:s14], [sflag:$0x2] =	stream.indirect.gather [hbm4b:s4+s12], $0x30, s12, s12, $0xb8;
	[tilespmem:$0x12800] =	vst v63  }
0x1e: {  	s30 =	simm.s32 $0x100  }
0x1f: {  	[tilespmem:s16], [sflag:$0x3] =	stream.indirect.gather [hbm4b:s4+s12], $0x30, s30, s12, $0xb8;
	[tilespmem:$0x12800] =	vst v63  }
0x20: {  	s17 =	simm.s32 $0x180  }
0x21: {  	[tilespmem:s18], [sflag:$0x4] =	stream.indirect.gather [hbm4b:s4+s12], $0x30, s17, s12, $0xb8;
	[tilespmem:$0x12800] =	vst v63  }
0x22: {  	[spmem:s20], [sflag:s19] =	dma.local [hbm:s5], $0xF00  }
0x23: {  	_ =	swait.ge [sflag:s10], $0xF00  }
0x24: {  	[sflag:s10] =	ssyncset.done $0x0  }
0x25: {  	[sflag:s10] =	ssyncadd.s32 $0xFFFFF100  }
0x26: {  	[bflag:$0x0] =	sbarrier.arrive $0xFFFF  }
0x27: {  	_ =	swait.ge [sflag:s21], $0x1800  }
0x28: {  	[sflag:s21] =	ssyncset.done $0x0  }
0x29: {  	s30 =	simm.s32 $0x2800;
	[sflag:s21] =	ssyncadd.s32 $0xFFFFE800  }
0x2a: {  	[spmem:s2] =	stream.indirect.scatter.add.f32 [tilespmem:s13], [sflag:$0x5], $0x30, s30, s12, $0xb8;
	[tilespmem:$0x12800] =	vst v63  }
0x2b: {  	_ =	swait.ge [sflag:s22], $0x1800  }
0x2c: {  	[sflag:s22] =	ssyncset.done $0x0  }
0x2d: {  	s17 =	simm.s32 $0x2880;
	[sflag:s22] =	ssyncadd.s32 $0xFFFFE800  }
0x2e: {  	[spmem:s2] =	stream.indirect.scatter.add.f32 [tilespmem:s14], [sflag:$0x6], $0x30, s17, s12, $0xb8;
	[tilespmem:$0x12800] =	vst v63  }
0x2f: {  	_ =	swait.ge [sflag:s23], $0x1800  }
0x30: {  	[sflag:s23] =	ssyncset.done $0x0  }
0x31: {  	s30 =	simm.s32 $0x2900;
	[sflag:s23] =	ssyncadd.s32 $0xFFFFE800  }
0x32: {  	[spmem:s2] =	stream.indirect.scatter.add.f32 [tilespmem:s16], [sflag:$0x7], $0x30, s30, s12, $0xb8;
	[tilespmem:$0x12800] =	vst v63  }
0x33: {  	_ =	swait.ge [sflag:s24], $0x1800  }
0x34: {  	[sflag:s24] =	ssyncset.done $0x0  }
0x35: {  	s17 =	simm.s32 $0x2980;
	[sflag:s24] =	ssyncadd.s32 $0xFFFFE800  }
0x36: {  	[spmem:s2] =	stream.indirect.scatter.add.f32 [tilespmem:s18], [sflag:$0x8], $0x30, s17, s12, $0xb8;
	[tilespmem:$0x12800] =	vst v63  }
0x37: {  	_ =	swait.ge [sflag:s25], $0x1800  }
0x38: {  	[sflag:s25] =	ssyncset.done $0x0  }
0x39: {  	s30 =	simm.s32 $0x200;
	[sflag:s25] =	ssyncadd.s32 $0xFFFFE800  }
0x3a: {  	[tilespmem:s13], [sflag:$0x1] =	stream.indirect.gather [hbm4b:s4+s12], $0x30, s30, s12, $0xb8;
	[tilespmem:$0x12800] =	vst v63  }
0x3b: {  	_ =	swait.ge [sflag:s26], $0x1800  }
0x3c: {  	[sflag:s26] =	ssyncset.done $0x0  }
0x3d: {  	s17 =	simm.s32 $0x280;
	[sflag:s26] =	ssyncadd.s32 $0xFFFFE800  }
0x3e: {  	[tilespmem:s14], [sflag:$0x2] =	stream.indirect.gather [hbm4b:s4+s12], $0x30, s17, s12, $0xb8;
	[tilespmem:$0x12800] =	vst v63  }
0x3f: {  	_ =	swait.ge [sflag:s28], $0x1800  }
0x40: {  	[sflag:s28] =	ssyncset.done $0x0  }
0x41: {  	s30 =	simm.s32 $0x300;
	[sflag:s28] =	ssyncadd.s32 $0xFFFFE800  }
0x42: {  	[tilespmem:s16], [sflag:$0x3] =	stream.indirect.gather [hbm4b:s4+s12], $0x30, s30, s12, $0xb8;
	[tilespmem:$0x12800] =	vst v63  }
0x43: {  	_ =	swait.ge [sflag:s29], $0x1800  }
0x44: {  	[sflag:s29] =	ssyncset.done $0x0  }
0x45: {  	s15 =	simm.s32 $0x800;
	s17 =	simm.s32 $0x380;
	[sflag:s29] =	ssyncadd.s32 $0xFFFFE800  }
.LBB2_2:
0x46: {  	[tilespmem:s18], [sflag:$0x4] =	stream.indirect.gather [hbm4b:s4+s12], $0x30, s17, s12, $0xb8;
	[tilespmem:$0x12800] =	vst v63  }
0x47: {  	s17 =	smov.u32 s15  }
0x48: {  	p0 =	sne.s32 s15, $0x9000;
	s15 =	sadd.s32 $0x800, s15;
	_ =	swait.ge [sflag:s21], $0x1800  }
0x49: {  	s17 =	sshra.s32 s17, $0x2;
	[sflag:s21] =	ssyncset.done $0x0  }
0x4a: {  	s30 =	sadd.s32 $0x2800, s17;
	[sflag:s21] =	ssyncadd.s32 $0xFFFFE800  }
0x4b: {  	[spmem:s2] =	stream.indirect.scatter.add.f32 [tilespmem:s13], [sflag:$0x5], $0x30, s30, s12, $0xb8;
	[tilespmem:$0x12800] =	vst v63  }
0x4c: {  	_ =	swait.ge [sflag:s22], $0x1800  }
0x4d: {  	[sflag:s22] =	ssyncset.done $0x0  }
0x4e: {  	s30 =	sadd.s32 $0x2880, s17;
	[sflag:s22] =	ssyncadd.s32 $0xFFFFE800  }
0x4f: {  	[spmem:s2] =	stream.indirect.scatter.add.f32 [tilespmem:s14], [sflag:$0x6], $0x30, s30, s12, $0xb8;
	[tilespmem:$0x12800] =	vst v63  }
0x50: {  	_ =	swait.ge [sflag:s23], $0x1800  }
0x51: {  	[sflag:s23] =	ssyncset.done $0x0  }
0x52: {  	s30 =	sadd.s32 $0x2900, s17;
	[sflag:s23] =	ssyncadd.s32 $0xFFFFE800  }
0x53: {  	[spmem:s2] =	stream.indirect.scatter.add.f32 [tilespmem:s16], [sflag:$0x7], $0x30, s30, s12, $0xb8;
	[tilespmem:$0x12800] =	vst v63  }
0x54: {  	_ =	swait.ge [sflag:s24], $0x1800  }
0x55: {  	[sflag:s24] =	ssyncset.done $0x0  }
0x56: {  	s30 =	sadd.s32 $0x2980, s17;
	[sflag:s24] =	ssyncadd.s32 $0xFFFFE800  }
0x57: {  	[spmem:s2] =	stream.indirect.scatter.add.f32 [tilespmem:s18], [sflag:$0x8], $0x30, s30, s12, $0xb8;
	[tilespmem:$0x12800] =	vst v63  }
0x58: {  	_ =	swait.ge [sflag:s25], $0x1800  }
0x59: {  	[sflag:s25] =	ssyncset.done $0x0  }
0x5a: {  	s30 =	sadd.s32 $0x200, s17;
	[sflag:s25] =	ssyncadd.s32 $0xFFFFE800  }
0x5b: {  	[tilespmem:s13], [sflag:$0x1] =	stream.indirect.gather [hbm4b:s4+s12], $0x30, s30, s12, $0xb8;
	[tilespmem:$0x12800] =	vst v63  }
0x5c: {  	_ =	swait.ge [sflag:s26], $0x1800  }
0x5d: {  	[sflag:s26] =	ssyncset.done $0x0  }
0x5e: {  	s30 =	sadd.s32 $0x280, s17;
	[sflag:s26] =	ssyncadd.s32 $0xFFFFE800  }
0x5f: {  	[tilespmem:s14], [sflag:$0x2] =	stream.indirect.gather [hbm4b:s4+s12], $0x30, s30, s12, $0xb8;
	[tilespmem:$0x12800] =	vst v63  }
0x60: {  	_ =	swait.ge [sflag:s28], $0x1800  }
0x61: {  	[sflag:s28] =	ssyncset.done $0x0  }
.Ltmp0:
0x62: {  	s30 =	sadd.s32 $0x300, s17;
	[sflag:s28] =	ssyncadd.s32 $0xFFFFE800;
	(pc) =	sbr.rel @p0 .LBB2_2-.Ltmp0, $4  }
0x63: {  	[tilespmem:s16], [sflag:$0x3] =	stream.indirect.gather [hbm4b:s4+s12], $0x30, s30, s12, $0xb8;
	[tilespmem:$0x12800] =	vst v63  }
0x64: {  	_ =	swait.ge [sflag:s29], $0x1800  }
0x65: {  	[sflag:s29] =	ssyncset.done $0x0  }
0x66: {  	s17 =	sadd.s32 $0x380, s17;
	[sflag:s29] =	ssyncadd.s32 $0xFFFFE800  }
0x67: {  	[tilespmem:s18], [sflag:$0x4] =	stream.indirect.gather [hbm4b:s4+s12], $0x30, s17, s12, $0xb8;
	[tilespmem:$0x12800] =	vst v63  }
0x68: {  	_ =	swait.ge [sflag:s21], $0x1800  }
0x69: {  	[sflag:s21] =	ssyncset.done $0x0  }
0x6a: {  	s15 =	simm.s32 $0x4E00;
	[sflag:s21] =	ssyncadd.s32 $0xFFFFE800  }
0x6b: {  	[spmem:s2] =	stream.indirect.scatter.add.f32 [tilespmem:s13], [sflag:$0x5], $0x30, s15, s12, $0xb8;
	[tilespmem:$0x12800] =	vst v63  }
0x6c: {  	_ =	swait.ge [sflag:s22], $0x1800  }
0x6d: {  	[sflag:s22] =	ssyncset.done $0x0  }
0x6e: {  	[sflag:s22] =	ssyncadd.s32 $0xFFFFE800  }
0x6f: {  	[spmem:s2] =	stream.indirect.scatter.add.f32 [tilespmem:s14], [sflag:$0x6], $0x30, s31, s12, $0xb8;
	[tilespmem:$0x12800] =	vst v63  }
0x70: {  	_ =	swait.ge [sflag:s23], $0x1800  }
0x71: {  	[sflag:s23] =	ssyncset.done $0x0  }
0x72: {  	[sflag:s23] =	ssyncadd.s32 $0xFFFFE800  }
0x73: {  	[spmem:s2] =	stream.indirect.scatter.add.f32 [tilespmem:s16], [sflag:$0x7], $0x30, s0, s12, $0xb8;
	[tilespmem:$0x12800] =	vst v63  }
0x74: {  	_ =	swait.ge [sflag:s24], $0x1800  }
0x75: {  	[sflag:s24] =	ssyncset.done $0x0  }
0x76: {  	[sflag:s24] =	ssyncadd.s32 $0xFFFFE800  }
0x77: {  	[spmem:s2] =	stream.indirect.scatter.add.f32 [tilespmem:s18], [sflag:$0x8], $0x30, s1, s12, $0xb8;
	[tilespmem:$0x12800] =	vst v63  }
0x78: {  	_ =	swait.ge [sflag:s25], $0x1800  }
0x79: {  	[sflag:s25] =	ssyncset.done $0x0  }
0x7a: {  	[sflag:s25] =	ssyncadd.s32 $0xFFFFE800  }
0x7b: {  	_ =	swait.ge [sflag:s26], $0x1800  }
0x7c: {  	[sflag:s26] =	ssyncset.done $0x0  }
0x7d: {  	[sflag:s26] =	ssyncadd.s32 $0xFFFFE800  }
0x7e: {  	_ =	swait.ge [sflag:s28], $0x1800  }
0x7f: {  	[sflag:s28] =	ssyncset.done $0x0  }
0x80: {  	[sflag:s28] =	ssyncadd.s32 $0xFFFFE800  }
0x81: {  	_ =	swait.ge [sflag:s29], $0x1800  }
0x82: {  	s11 =	sadd.s32 $0x1, s11;
	[sflag:s29] =	ssyncset.done $0x0  }
0x83: {  	p0 =	sne.s32 s11, s9;
	[sflag:s29] =	ssyncadd.s32 $0xFFFFE800  }
.Ltmp1:
0x84: {  	[bflag:$0x0] =	sbarrier.arrive $0xFFFF;
	(pc) =	sbr.rel @p0 .LBB2_1-.Ltmp1, $4  }
0x85: {  	[hbm:s8], [sflag:s19] =	dma.local [spmem:s20], $0xF00  }
0x86: {  	_ =	swait.ge [sflag:s10], $0xF00  }
0x87: {  	[sflag:s10] =	ssyncset.done $0x0  }
0x88: {  	[sflag:s10] =	ssyncadd.s32 $0xFFFFF100  }
0x89: {  	_ =	sfence.sel $0x180000  }
0x8a: {  	[bflag:$0x0] =	sbarrier.arrive $0xFFFF  }
0x8b: {  	_ =	strace $0x9000004D  }
0x8c: {  	s0 =	stileid.u32;
	[bflag:$0x2] =	sbarrier.arrive $0xFFFF  }
0x8d: {  	p0 =	sne.s32 s0, $0x0;
	s0 =	rddreg [dreg:$0x3]  }
0x8e: {  	s0 =	sadd.s32 @!p0 $0x100000, s0  }
0x8f: {  	[sflag:s0] =	ssyncadd.tile.s32 @!p0 $0x1;
	_ =	shalt  }
.Lfunc_end2:
_tile_overlayer_lowered:
.L_overlay_start_2:
0x90: {  	(tag) =	ssettag $0x2  }
0x91: {  	s0 =	rddreg [dreg:$0x0];
	s2 =	stileid.u32  }
0x92: {  	s1 =	rddreg [dreg:$0x1];
	p0 =	sne.s32 s2, $0x0  }
0x93: {  	s3 =	rddreg [dreg:$0x2];
	[bflag:$0x3] =	sbarrier.arrive $0xFFFF;
	s2 =	simm.s32 @!p0 $0x1C09  }
0x94: {  	[timem:s3], [sflag:s2] =	dma.local @!p0 [hbm:s0], s1  }
0x95: {  	s0 =	simm.s32 @!p0 $0x9  }
0x96: {  	_ =	swait.ge @!p0 [sflag:s0], s1  }
0x97: {  	s1 =	ssub.s32 @!p0 $0x0, s1;
	[sflag:s0] =	ssyncset.done @!p0 $0x0  }
0x98: {  	[sflag:s0] =	ssyncadd.s32 @!p0 s1  }
0x99: {  	[bflag:$0x3] =	sbarrier.arrive $0xFFFF  }
0x9a: {  	_ =	shalt  }

// kernel: kernel.8.cloned.1.call-start
scs
__scs_entry_jumppad:
0x0: {  	(pc) =	sbr.rel $0x88, $3  }
0x1: {  	(tag) =	ssettag $0x0;
	lr =	simm.s32 $0x1  }
0x2: {  	[smem:$0x3F9B] =	sst lr;
	_ =	strace $0xD0000000  }
0x3: {  	_ = 	snop  }
0x4: {  	_ = 	snop  }
0x5: {  	_ = 	snop  }
0x6: {  	_ = 	snop  }
0x7: {  	_ = 	snop  }
__scs_overlays_trampoline_lowered:
0x8: {  	[smem:$0x3FAA] =	sst s0  }
0x9: {  	[smem:$0x3FAB] =	sst s1  }
0xa: {  	[smem:$0x3FAC] =	sst s2  }
0xb: {  	[smem:$0x3FAD] =	sst s3  }
0xc: {  	[smem:$0x3FAE] =	sst s4  }
0xd: {  	[smem:$0x3FAF] =	sst s5  }
0xe: {  	[smem:$0x3FB0] =	sst s6  }
0xf: {  	[smem:$0x3FB1] =	sst s7  }
0x10: {  	[smem:$0x3FB2] =	sst s8  }
0x11: {  	[smem:$0x3FB3] =	sst s9;
	s0 =	simm.s32 @!p0 $0x0  }
0x12: {  	s1 =	sld [smem:$0x3F99];
	s0 =	simm.s32 @p0 $0x1  }
0x13: {  	[smem:$0x3FB4] =	sst s0;
	s0 =	simm.s32 @!p1 $0x0  }
0x14: {  	s2 =	sld [smem:$0x3F98];
	s0 =	simm.s32 @p1 $0x1  }
0x15: {  	[smem:$0x3FB5] =	sst s0;
	s0 =	simm.s32 @!p2 $0x0  }
0x16: {  	s3 =	sld [smem:$0x3FDB];
	s0 =	simm.s32 @p2 $0x1  }
0x17: {  	s4 =	simm.s32 $0x1BF5;
	[smem:$0x3FB7] =	sst s0  }
0x18: {  	s0 =	sld [smem:$0x3F9A];
	_ =	swait.ge [sflag:s4], $0x0  }
0x19: {  	s7 =	sld [smem:$0x3F9B]  }
0x1a: {  	s8 =	sadd.s32 $0xFFFFE003, lr  }
0x1b: {  	s9 =	sadd.s32 $0xFFFFFEF7, lr;
	s5 =	simm.s32 $0xFFFFFFFF;
	p2 =	slt.u32 s8, $0xFFFFF086  }
0x1c: {  	p1 =	slt.u32 s9, $0xF7A;
	s5 =	simm.s32 @!p2 $0x0  }
0x1d: {  	s5 =	simm.s32 @p1 $0x1;
	p0 =	seq.s32 s7, s2  }
0x1e: {  	s7 =	smul.u32 @!p0 $0xF7A, s2;
	p2 =	seq.s32 @!p0 s5, $0x0  }
0x1f: {  	s9 =	smul.u32 $0xF7A, s1;
	s8 =	simm.s32 @!p0 $0x1BF5;
	p2 =	por !p2, p0  }
0x20: {  	[sflag:s8] =	ssyncset.s32 @!p0 $0xFFFFF086;
	s6 =	sadd.s32 @!p0 s3, s7;
	s7 =	simm.s32 @!p0 $0x108  }
0x21: {  	s3 =	sadd.s32 s3, s9;
	s6 =	sadd.s32 @!p0 $0x88, s6;
	s7 =	simm.s32 @p2 $0x1082  }
0x22: {  	[simem:s7], [sflag:s8] =	dma.local @!p0 [hbm:s6], $0xF7A  }
0x23: {  	s9 =	sor.u32 $0xD0000000, s2;
	s6 =	simm.s32 $0x108;
	_ =	swait.ge @!p0 [sflag:s8], $0x0  }
0x24: {  	s3 =	sadd.s32 $0x88, s3;
	s6 =	simm.s32 @!p1 $0x1082;
	[sflag:s4] =	ssyncset.s32 $0xFFFFF086  }
0x25: {  	[simem:s6], [sflag:s4] =	dma.local [hbm:s3], $0xF7A  }
0x26: {  	[smem:$0x3F9B] =	sst s1;
	(tag) =	ssettag s2;
	_ =	strace s9  }
0x27: {  	s1 =	sld [smem:$0x3FAB]  }
0x28: {  	s2 =	sld [smem:$0x3FAC]  }
0x29: {  	s4 =	sld [smem:$0x3FAE]  }
0x2a: {  	p0 =	seq.s32 s5, $0x0;
	s5 =	sld [smem:$0x3FAF]  }
0x2b: {  	s6 =	sld [smem:$0x3FB0]  }
0x2c: {  	s7 =	sld [smem:$0x3FB1]  }
0x2d: {  	s3 =	simm.s32 $0x108;
	s8 =	sld [smem:$0x3FB2]  }
0x2e: {  	s3 =	simm.s32 @!p0 $0x1082;
	s9 =	sld [smem:$0x3FB3]  }
0x2f: {  	lr =	sadd.s32 s0, s3;
	s0 =	sld [smem:$0x3FAA]  }
0x30: {  	s3 =	sld [smem:$0x3FAD]  }
0x31: {  	[smem:$0x3FB6] =	sst s10  }
0x32: {  	s10 =	sld [smem:$0x3FB4];
	_ =	sdelay $0x3  }
0x33: {  	p0 =	seq.s32 s10, $0x1;
	s10 =	sld [smem:$0x3FB6];
	_ =	sdelay $0x3  }
0x34: {  	[smem:$0x3FB6] =	sst s10  }
0x35: {  	s10 =	sld [smem:$0x3FB5];
	_ =	sdelay $0x3  }
0x36: {  	p1 =	seq.s32 s10, $0x1;
	s10 =	sld [smem:$0x3FB6];
	_ =	sdelay $0x3  }
0x37: {  	[smem:$0x3FB6] =	sst s10  }
0x38: {  	s10 =	sld [smem:$0x3FB7]  }
0x39: {  	_ = 	snop;
	(pc) =	sbr.ind lr, $3  }
0x3a: {  	_ = 	snop  }
0x3b: {  	_ = 	snop  }
0x3c: {  	p2 =	seq.s32 s10, $0x1;
	s10 =	sld [smem:$0x3FB6]  }
0x3d: {  	_ =	shalt  }
0x3e: {  	_ =	shalt  }
0x3f: {  	_ =	shalt  }
0x40: {  	_ =	shalt  }
0x41: {  	_ =	shalt  }
0x42: {  	_ =	shalt  }
0x43: {  	_ =	shalt  }
0x44: {  	_ =	shalt  }
0x45: {  	_ =	shalt  }
0x46: {  	_ =	shalt  }
0x47: {  	_ =	shalt  }
0x48: {  	_ =	shalt  }
0x49: {  	_ =	shalt  }
0x4a: {  	_ =	shalt  }
0x4b: {  	_ =	shalt  }
0x4c: {  	_ =	shalt  }
0x4d: {  	_ =	shalt  }
0x4e: {  	_ =	shalt  }
0x4f: {  	_ =	shalt  }
0x50: {  	_ =	shalt  }
0x51: {  	_ =	shalt  }
0x52: {  	_ =	shalt  }
0x53: {  	_ =	shalt  }
0x54: {  	_ =	shalt  }
0x55: {  	_ =	shalt  }
0x56: {  	_ =	shalt  }
0x57: {  	_ =	shalt  }
0x58: {  	_ =	shalt  }
0x59: {  	_ =	shalt  }
0x5a: {  	_ =	shalt  }
0x5b: {  	_ =	shalt  }
0x5c: {  	_ =	shalt  }
0x5d: {  	_ =	shalt  }
0x5e: {  	_ =	shalt  }
0x5f: {  	_ =	shalt  }
0x60: {  	_ =	shalt  }
0x61: {  	_ =	shalt  }
0x62: {  	_ =	shalt  }
0x63: {  	_ =	shalt  }
0x64: {  	_ =	shalt  }
0x65: {  	_ =	shalt  }
0x66: {  	_ =	shalt  }
0x67: {  	_ =	shalt  }
0x68: {  	_ =	shalt  }
0x69: {  	_ =	shalt  }
0x6a: {  	_ =	shalt  }
0x6b: {  	_ =	shalt  }
0x6c: {  	_ =	shalt  }
0x6d: {  	_ =	shalt  }
0x6e: {  	_ =	shalt  }
0x6f: {  	_ =	shalt  }
0x70: {  	_ =	shalt  }
0x71: {  	_ =	shalt  }
0x72: {  	_ =	shalt  }
0x73: {  	_ =	shalt  }
0x74: {  	_ =	shalt  }
0x75: {  	_ =	shalt  }
0x76: {  	_ =	shalt  }
0x77: {  	_ =	shalt  }
0x78: {  	_ =	shalt  }
0x79: {  	_ =	shalt  }
0x7a: {  	_ =	shalt  }
0x7b: {  	_ =	shalt  }
0x7c: {  	_ =	shalt  }
0x7d: {  	_ =	shalt  }
0x7e: {  	_ =	shalt  }
0x7f: {  	_ =	shalt  }
0x80: {  	_ =	shalt  }
0x81: {  	_ =	shalt  }
0x82: {  	_ =	shalt  }
0x83: {  	_ =	shalt  }
0x84: {  	_ =	shalt  }
0x85: {  	_ =	shalt  }
0x86: {  	_ =	shalt  }
0x87: {  	_ =	shalt  }
.Lfunc_end0:
.L_simem_size_0:
called_computation_lowered:
.L_overlay_start_0:
0x88: {  	s2 =	sld [smem:$0x3FD9]  }
0x89: {  	s3 =	sld [smem:$0x3FFE];
	_ =	sdelay $0x1  }
0x8a: {  	s1 =	srdreg.scid  }
0x8b: {  	s0 =	sand.u32 $0x1, s1  }
0x8c: {  	s16 =	sshll.u32 s0, $0xA;
	s2 =	sadd.s32 s3, s2  }
0x8d: {  	s2 =	sadd.s32 s2, s16  }
0x8e: {  	[smem:$0x3FC2] =	sst s2  }
0x8f: {  	_ = 	snop  }
0x90: {  	(tm) =	ssettm $0x1  }
0x91: {  	s17 =	sld [smem:$0x3FFB];
	_ =	sdelay $0x3  }
0x92: {  	_ =	strace s17  }
0x93: {  	s2 =	sld [smem:$0x3FFC];
	_ =	sdelay $0x3  }
0x94: {  	_ =	strace s2  }
0x95: {  	s2 =	sld [smem:$0x3FFD];
	_ =	sdelay $0x3  }
0x96: {  	_ =	strace s2  }
0x97: {  	_ =	strace $0x8FFFFFFF  }
0x98: {  	s18 =	sld [smem:$0x3FDB];
	_ =	sdelay $0x1  }
0x99: {  	s19 =	simm.s32 $_scs_section_size  }
0x9a: {  	s4 =	simm.s32 $_size__tile_overlayer_lowered;
	s5 =	simm.s32 $_tile_overlayer_lowered  }
0x9b: {  	s22 =	simm.s32 $0x1BFF;
	s21 =	sshll.u32 s5, $0x1;
	s2 =	sadd.s32 s19, s18  }
0x9c: {  	s6 =	simm.s32 $0x0;
	s20 =	sshll.u32 s4, $0x1;
	s4 =	sadd.s32 s21, s2  }
0x9d: {  	[timem:s6], [sflag:s22] =	dma.local [hbm:s4], s20  }
0x9e: {  	_ =	swait.ge [sflag:s22], s20  }
0x9f: {  	s3 =	ssub.s32 $0x0, s20;
	[sflag:s22] =	ssyncset.done $0x0  }
0xa0: {  	[sflag:s22] =	ssyncadd.s32 s3;
	_ =	sdelay $0x1  }
0xa1: {  	s23 =	simm.s32 $0x1B8B  }
0xa2: {  	_ =	swait.ge [sflag:s23], $0x1  }
0xa3: {  	[sflag:s23] =	ssyncset.done $0x0  }
0xa4: {  	s25 =	simm.s32 $0x1B8E;
	s24 =	sld [smem:$0x3FFE];
	[sflag:s23] =	ssyncadd.s32 $0xFFFFFFFF  }
0xa5: {  	s26 =	simm.s32 $execute0_lowered;
	[smem:$0x3FD2] =	sst s25  }
0xa6: {  	s4 =	sshll.u32 s26, $0x1;
	_ =	strace $0x80000046;
	[dreg:$0x1] =	wrdreg $0xFFFFFFFF  }
0xa7: {  	s28 =	simm.s32 $_size_execute0_lowered;
	s2 =	sadd.s32 s2, s4;
	[dreg:$0x0] =	wrdreg $0x0  }
0xa8: {  	s4 =	sshll.u32 s28, $0x1;
	[dreg:$0x2] =	wrdreg s2  }
0xa9: {  	[dreg:$0x3] =	wrdreg s4  }
0xaa: {  	[dreg:$0x4] =	wrdreg $0xC0  }
0xab: {  	_ =	task [dreg:s6], $0x5FFFF  }
0xac: {  	[dreg:$0x1] =	wrdreg $0xFFFFFFFF  }
0xad: {  	[dreg:$0x0] =	wrdreg $0x60  }
0xae: {  	[dreg:$0x2] =	wrdreg s24  }
0xaf: {  	[dreg:$0x3] =	wrdreg $0x28800  }
0xb0: {  	[dreg:$0x4] =	wrdreg $0x9  }
0xb1: {  	_ =	task.clear_ibuf [dreg:s6], $0x5FFFF;
	_ =	strace $0x90000046  }
0xb2: {  	s29 =	simm.s32 $0x9;
	_ =	strace $0x80000048  }
0xb3: {  	_ =	swait.ge [sflag:s29], $0x1  }
0xb4: {  	[sflag:s29] =	ssyncadd.s32 $0xFFFFFFFF  }
0xb5: {  	_ =	strace $0x90000048  }
0xb6: {  	_ =	sfence  }
0xb7: {  	s30 =	sld [smem:$0x0];
	_ =	sdelay $0x2  }
0xb8: {  	s31 =	sshll.u32 s1, $0xD;
	s1 =	sshrl.u32 s1, $0x2  }
0xb9: {  	s3 =	sand.u32 $0x4000, s31;
	s1 =	sadd.s32 s1, s30  }
0xba: {  	s0 =	sor.u32 s3, s0;
	s1 =	sshll.u32 s1, $0x11  }
0xbb: {  	s0 =	sor.u32 s1, s0  }
0xbc: {  	s0 =	sadd.s32 $0x8F2B, s0  }
0xbd: {  	[sflag:s0] =	ssyncadd.remote.s32 $0x1  }
0xbe: {  	_ =	sfence.sel $0xFFFF  }
0xbf: {  	[dreg:$0x0] =	wrdreg $0xFFFFFFFF;
	(pc) =	sbr.abs _section_cstart, $3  }
0xc0: {  	[dreg:$0x1] =	wrdreg $0xFFFFFFFF  }
0xc1: {  	_ =	task.clear_ibuf [dreg:s6], $0x2FFFF;
	_ =	strace $0x9FFFFFFF  }
0xc2: {  	(tm) =	ssettm $0x7FFFFFFF  }
0xc3: {  	_ =	shalt  }
tec
execute0_lowered:
.L_overlay_start_1:
0x0: {  	(tag) =	ssettag $0x1  }
0x1: {  	s7 =	rddreg [dreg:$0x0]  }
0x2: {  	s0 =	srdreg.scid;
	s2 =	rddreg [dreg:$0x1]  }
0x3: {  	s3 =	simm.s32 $0x0;
	s13 =	simm.s32 $0x80;
	s14 =	simm.s32 $0x1  }
0x4: {  	s15 =	simm.s32 $0x20;
	s16 =	simm.s32 $0x10;
	s17 =	simm.s32 $0x0  }
0x5: {  	s6 =	sand.u32 $0x1, s0;
	s0 =	stileid.u32;
	[smem:$0x7FF] =	sst s3  }
0x6: {  	s1 =	sshll.u32 s6, $0x4;
	s5 =	smul.u32 $0x500, s0;
	s9 =	sshll.u32 s6, $0x7  }
0x7: {  	s10 =	smul.u32 $0xA00, s0;
	s6 =	ssub.s32 $0x2, s6;
	s11 =	sshll.u32 s0, $0x6  }
0x8: {  	s4 =	sor.u32 s0, s1;
	s1 =	rddreg [dreg:$0x2];
	_ =	strace $0x80000047  }
0x9: {  	s31 =	sshrl.u32 s6, $0x1;
	s11 =	sor.u32 $0x1C02, s11;
	s4 =	smul.u32 $0x500, s4  }
0xa: {  	s9 =	sor.u32 s9, s5;
	s5 =	sadd.s32 $0xC200, s7;
	s10 =	sshrl.u32 s10, $0x2  }
0xb: {  	s9 =	sshrl.u32 s9, $0x3;
	s12 =	sadd.s32 s10, s2;
	s10 =	simm.s32 $0x2800  }
0xc: {  	s8 =	sadd.s32 s4, s7;
	s4 =	sadd.s32 $0xC400, s7;
	s7 =	sadd.s32 s9, s7  }
0xd: {  	s9 =	ssub.s32 s6, s31;
	s12 =	sshrl.u32 s12, $0x3;
	s6 =	sadd.s32 $0x2200, s8  }
0xe: {  	s7 =	sadd.s32 $0xC600, s7;
	s8 =	smax.u32 s9, $0x1;
	s9 =	simm.s32 $0x2  }
.LBB2_1:
0xf: {  	[tilespmem:s3], [sflag:$0x2] =	stream.linear.gather [hbm4b:s6+s3], $0x2800, $0x38;
	[tilespmem:$0x2B00] =	vst v63  }
0x10: {  	_ =	swait.ge [sflag:s9], $0x2800  }
0x11: {  	[sflag:s9] =	ssyncset.done $0x0  }
0x12: {  	[sflag:s9] =	ssyncadd.s32 $0xFFFFD800  }
0x13: {  	[tilespmem:s10], [sflag:$0x2] =	stream.linear.gather [hbm4b:s4+s3], $0x80, $0x38;
	[tilespmem:$0x2B00] =	vst v63  }
0x14: {  	_ =	swait.ge [sflag:s9], $0x80  }
0x15: {  	[sflag:s9] =	ssyncset.done $0x0  }
0x16: {  	[sflag:s9] =	ssyncadd.s32 $0xFFFFFF80  }
0x17: {  	[spmem:s12], [sflag:s11] =	dma.local [hbm:s5], $0x50  }
0x18: {  	_ =	swait.ge [sflag:s9], $0x50  }
0x19: {  	[sflag:s9] =	ssyncset.done $0x0  }
0x1a: {  	[sflag:s9] =	ssyncadd.s32 $0xFFFFFFB0  }
0x1b: {  	s18 =	simm.s32 $0x0;
	[bflag:$0x0] =	sbarrier.arrive $0xFFFF  }
.LBB2_2:
0x1c: {  	p0 =	sne.s32 s18, $0x9E00  }
.Ltmp0:
0x1d: {  	_ = 	snop;
	(pc) =	sbr.rel @p0 .LBB2_2-.Ltmp0, $3  }
0x1e: {  	_ =	sdelay $0x1  }
0x1f: {  	s19 =	sshra.s32 s18, $0x2;
	s18 =	sadd.s32 $0x200, s18  }
0x20: {  	[spmem:s2] =	stream.indirect.scatter.add.f32 [tilespmem:s10], [sflag:$0x1], $0x1, s19, s13, $0xb8;
	[tilespmem:$0x2B00] =	vst v63  }
0x21: {  	_ =	swait.ge [sflag:s14], $0x80  }
0x22: {  	s18 =	simm.s32 $0x4F;
	[sflag:s14] =	ssyncset.done $0x0  }
.LBB2_4:
0x23: {  	p0 =	sne.s32 s18, $0x1;
	s18 =	sadd.s32 $0xFFFFFFFF, s18;
	[sflag:s14] =	ssyncadd.s32 $0xFFFFFF80  }
.Ltmp1:
0x24: {  	(pc) =	sbr.rel @p0 .LBB2_4-.Ltmp1, $3  }
0x25: {  	_ =	sdelay $0x1  }
0x26: {  	_ =	swait.ge [sflag:s14], $0x80  }
0x27: {  	[sflag:s14] =	ssyncset.done $0x0  }
0x28: {  	s17 =	sadd.s32 $0x1, s17  }
0x29: {  	[sflag:s14] =	ssyncadd.s32 $0xFFFFFF80;
	p0 =	sne.s32 s17, s8  }
.Ltmp2:
0x2a: {  	[bflag:$0x0] =	sbarrier.arrive $0xFFFF;
	(pc) =	sbr.rel @p0 .LBB2_1-.Ltmp2, $4  }
0x2b: {  	[hbm:s7@s15], [sflag:s11] =	dma.strided [spmem:s12@s16], $0x50, s14, $0x10   }
0x2c: {  	_ =	swait.ge [sflag:s9], $0x50  }
0x2d: {  	[sflag:s9] =	ssyncset.done $0x0  }
0x2e: {  	[sflag:s9] =	ssyncadd.s32 $0xFFFFFFB0  }
0x2f: {  	_ =	sfence.sel $0x180000  }
0x30: {  	[bflag:$0x0] =	sbarrier.arrive $0xFFFF  }
0x31: {  	p0 =	sne.s32 s0, $0x0;
	_ =	strace $0x90000047  }
0x32: {  	s0 =	sadd.s32 @!p0 $0x100000, s1;
	[bflag:$0x2] =	sbarrier.arrive $0xFFFF  }
0x33: {  	[sflag:s0] =	ssyncadd.tile.s32 @!p0 $0x1;
	_ =	shalt  }
.Lfunc_end2:
_tile_overlayer_lowered:
.L_overlay_start_2:
0x34: {  	(tag) =	ssettag $0x2  }
0x35: {  	s0 =	rddreg [dreg:$0x0];
	s2 =	stileid.u32  }
0x36: {  	s1 =	rddreg [dreg:$0x1];
	p0 =	sne.s32 s2, $0x0  }
0x37: {  	s3 =	rddreg [dreg:$0x2];
	[bflag:$0x3] =	sbarrier.arrive $0xFFFF;
	s2 =	simm.s32 @!p0 $0x1C02  }
0x38: {  	[timem:s3], [sflag:s2] =	dma.local @!p0 [hbm:s0], s1  }
0x39: {  	s0 =	simm.s32 @!p0 $0x2  }
0x3a: {  	_ =	swait.ge @!p0 [sflag:s0], s1  }
0x3b: {  	s1 =	ssub.s32 @!p0 $0x0, s1;
	[sflag:s0] =	ssyncset.done @!p0 $0x0  }
0x3c: {  	[sflag:s0] =	ssyncadd.s32 @!p0 s1  }
0x3d: {  	[bflag:$0x3] =	sbarrier.arrive $0xFFFF  }
0x3e: {  	_ =	shalt  }

</sc_bundles>
